<compile_context>
chip_gen: v7x
topology: tpu7x:2x2x1
jax: 0.10.2.dev20260603
libtpu: 0.0.44.dev20260713+nightly
codegen_flags: <defaults>
</compile_context>

<pallas_src>
import jax
import jax.numpy as jnp
from jax import lax
from jax.experimental import pallas as pl
from jax.experimental.pallas import tpu as pltpu
from jax.experimental.pallas import tpu_sc as plsc

S, B, K, D = 8, 1024, 64, 32
KB = 32
NKB = K // KB
BT = 896
BS = B - BT
NC, NS, L = 2, 16, 16
CW = 128
KG = 4
KH = K // 4
NGH = KH // KG


def _select_body(z_ref, mu_ref, sg_ref, p_ref, out_ref, acc_sg, zb):
  kb = pl.program_id(1)

  @pl.when(kb == 0)
  def _bcast():
    zb[...] = jnp.broadcast_to(z_ref[0, 0, :][None, :], (D, BT))

  zt = zb[...]
  acc_mu = out_ref[0]
  acc_s = acc_sg[...]
  for kk in range(KB):
    m = zt == (kb * KB + kk)
    acc_mu = jnp.where(m, mu_ref[0, kk], acc_mu)
    acc_s = jnp.where(m, sg_ref[0, kk], acc_s)

  @pl.when(kb < NKB - 1)
  def _store():
    out_ref[0] = acc_mu
    acc_sg[...] = acc_s

  @pl.when(kb == NKB - 1)
  def _fin():
    out_ref[0] = acc_mu + acc_s * p_ref[0]


@jax.jit
def _sample_point_tc(mus_t, sig_t, p_t, z3):
  return pl.pallas_call(
      _select_body,
      grid=(S, NKB),
      in_specs=[
          pl.BlockSpec((1, 1, BT), lambda s, kb: (s, 0, 0)),
          pl.BlockSpec((1, KB, D, BT), lambda s, kb: (s, kb, 0, 0)),
          pl.BlockSpec((1, KB, D, BT), lambda s, kb: (s, kb, 0, 0)),
          pl.BlockSpec((1, D, BT), lambda s, kb: (s, 0, 0)),
      ],
      out_specs=pl.BlockSpec((1, D, BT), lambda s, kb: (s, 0, 0)),
      out_shape=jax.ShapeDtypeStruct((S, D, BT), jnp.float32),
      scratch_shapes=[pltpu.VMEM((D, BT), jnp.float32),
                      pltpu.VMEM((D, BT), jnp.int32)],
      compiler_params=pltpu.CompilerParams(
          dimension_semantics=("parallel", "arbitrary")),
  )(z3, mus_t, sig_t, p_t)


def _sc_body(mu_hbm, sg_hbm, p_hbm, z_hbm, out_hbm,
             z_buf, mu_buf, sg_buf, p_buf, acc_mu, acc_sg, sem_mu, sem_sg):
  wid = lax.axis_index("s") * NC + lax.axis_index("c")
  s = wid // 4
  h = wid % 4
  b0 = BT
  r_base = s * (K * D) + h * (KH * D)

  pltpu.sync_copy(z_hbm.at[s, pl.ds(b0, CW)], z_buf)
  pltpu.sync_copy(p_hbm.at[pl.ds(s * D, D), pl.ds(b0, CW)], p_buf)

  def zrow(d, _):
    for v in range(CW // L):
      sl = pl.ds(v * L, L)
      acc_mu[d, sl] = jnp.zeros((L,), jnp.float32)
      acc_sg[d, sl] = jnp.zeros((L,), jnp.float32)
    return 0

  lax.fori_loop(0, D, zrow, 0)

  def fire(g, par):
    rows = pl.ds(r_base + g * (KG * D), KG * D)
    cols = pl.ds(b0, CW)
    pltpu.async_copy(mu_hbm.at[rows, cols], mu_buf.at[par], sem_mu)
    pltpu.async_copy(sg_hbm.at[rows, cols], sg_buf.at[par], sem_sg)

  fire(0, 0)

  def group(g, _):
    par = lax.rem(g, 2)
    pltpu.make_async_copy(
        mu_hbm.at[pl.ds(0, KG * D), pl.ds(0, CW)], mu_buf.at[par], sem_mu
    ).wait()
    pltpu.make_async_copy(
        sg_hbm.at[pl.ds(0, KG * D), pl.ds(0, CW)], sg_buf.at[par], sem_sg
    ).wait()

    @pl.when(g < NGH - 1)
    def _prefetch():
      fire(g + 1, 1 - par)

    k0 = h * KH + g * KG

    def drow(d, _):
      for v in range(CW // L):
        sl = pl.ds(v * L, L)
        zv = z_buf[sl]
        amu = acc_mu[d, sl]
        asg = acc_sg[d, sl]
        for kk in range(KG):
          m = zv == (k0 + kk)
          amu = jnp.where(m, mu_buf[par, kk * D + d, sl], amu)
          asg = jnp.where(m, sg_buf[par, kk * D + d, sl], asg)
        acc_mu[d, sl] = amu
        acc_sg[d, sl] = asg
      return 0

    lax.fori_loop(0, D, drow, 0)
    return 0

  lax.fori_loop(0, NGH, group, 0)

  def frow(d, _):
    for v in range(CW // L):
      sl = pl.ds(v * L, L)
      acc_mu[d, sl] = acc_mu[d, sl] + acc_sg[d, sl] * p_buf[d, sl]
    return 0

  lax.fori_loop(0, D, frow, 0)
  pltpu.sync_copy(acc_mu,
                  out_hbm.at[h, pl.ds(s * D, D), pl.ds(0, CW)])


@jax.jit
def _sample_point_sc(mus2d, sig2d, p2d, z):
  mesh = plsc.VectorSubcoreMesh(core_axis_name="c", subcore_axis_name="s",
                                num_cores=NC, num_subcores=NS)
  run = pl.kernel(
      _sc_body,
      out_type=jax.ShapeDtypeStruct((4, S * D, BS), jnp.float32),
      mesh=mesh,
      scratch_types=[
          pltpu.VMEM((CW,), jnp.int32),
          pltpu.VMEM((2, KG * D, CW), jnp.float32),
          pltpu.VMEM((2, KG * D, CW), jnp.float32),
          pltpu.VMEM((D, CW), jnp.float32),
          pltpu.VMEM((D, CW), jnp.float32),
          pltpu.VMEM((D, CW), jnp.float32),
          pltpu.SemaphoreType.DMA,
          pltpu.SemaphoreType.DMA,
      ],
  )
  return run(mus2d, sig2d, p2d, z)


def kernel(p, mus, sigmas, z):
  mus_t = mus.transpose(0, 2, 3, 1)
  sig_t = sigmas.transpose(0, 2, 3, 1)
  p_t = p.transpose(0, 2, 1)
  zi = z.astype(jnp.int32)
  z3 = zi.reshape(S, 1, B)
  sc_parts = _sample_point_sc(mus_t.reshape(S * K * D, B),
                              sig_t.reshape(S * K * D, B),
                              p_t.reshape(S * D, B), zi)
  tc_out = _sample_point_tc(mus_t, sig_t, p_t, z3)
  sc_out = (sc_parts[0] + sc_parts[1]
            + sc_parts[2] + sc_parts[3]).reshape(S, D, BS)
  out_t = jnp.concatenate([tc_out, sc_out], axis=2)
  return out_t.transpose(0, 2, 1)

# --- scband reference (transcript-rebuilt; emitter-appended) ---
"""Pipeline reference for scband-sample-point-8452495638937 (READ-ONLY COPY).

The authoritative reference and input builder live on the scoring server;
editing this copy changes nothing except your own understanding.
"""

import jax, jax.numpy as jnp
import numpy as np


def setup_inputs(seed: int = 0) -> dict:
    key = jax.random.key(seed)
    k1, k2, k3, k4 = jax.random.split(key, 4)
    S, B, K, D = 8, 1024, 64, 32
    # 'p' stands in for the stochastic trace handle: here it is the standard-normal
    # noise used by the reparameterized Normal sample x = mu + sigma * eps.
    p = jax.random.normal(k1, (S, B, D), dtype=jnp.float32)
    mus = jax.random.normal(k2, (S, B, K, D), dtype=jnp.float32)
    sigmas = jax.random.uniform(k3, (S, B, K, D), dtype=jnp.float32, minval=0.1, maxval=1.0)
    z = jax.random.randint(k4, (S, B), 0, K, dtype=jnp.int32)
    return {"p": p, "mus": mus, "sigmas": sigmas, "z": z}


def particle_index(t, z):
    # Select per-(particle, batch) mixture component along axis=2.
    idx = z[:, :, None, None].astype(jnp.int32)
    return jnp.take_along_axis(t, idx, axis=2)[:, :, 0, :]


def reference(p, mus, sigmas, z):
    mu = particle_index(mus, z)
    sigma = particle_index(sigmas, z)
    # p.normal(mu, sigma): reparameterized draw using closed-over noise 'p'
    x = mu + sigma * p
    return x

if __name__ == "__main__":
    import jax
    _d = setup_inputs()
    print(jax.jit(kernel)(*tuple(_d.values())))

</pallas_src>

<mosaic_0001>
#map = affine_map<(d0, d1) -> (0, 0)>
#map1 = affine_map<(d0, d1) -> (0, 0, 0)>
module attributes {stable_mosaic.version = 14 : i64} {
  func.func @_sc_body(%arg0: i32, %arg1: i32, %arg2: memref<16384x1024xf32, #tpu.memory_space<hbm>>, %arg3: memref<16384x1024xf32, #tpu.memory_space<hbm>>, %arg4: memref<256x1024xf32, #tpu.memory_space<hbm>>, %arg5: memref<8x1024xi32, #tpu.memory_space<hbm>>, %arg6: memref<4x256x128xf32, #tpu.memory_space<hbm>>, %arg7: memref<128xi32, #tpu.memory_space<vmem>>, %arg8: memref<2x128x128xf32, #tpu.memory_space<vmem>>, %arg9: memref<2x128x128xf32, #tpu.memory_space<vmem>>, %arg10: memref<32x128xf32, #tpu.memory_space<vmem>>, %arg11: memref<32x128xf32, #tpu.memory_space<vmem>>, %arg12: memref<32x128xf32, #tpu.memory_space<vmem>>, %arg13: memref<!tpu.dma_semaphore, #tpu.memory_space<semaphore_mem>>, %arg14: memref<!tpu.dma_semaphore, #tpu.memory_space<semaphore_mem>>) attributes {dimension_semantics = [#tpu.dimension_semantics<core_parallel>, #tpu.dimension_semantics<subcore_parallel>], iteration_bounds = array<i64: 2, 16>, scalar_prefetch = 0 : i64, scratch_operands = 8 : i64, tpu.core_type = #tpu.core_type<sc_vector_subcore>, window_params = [{transform_indices = #map}, {transform_indices = #map}, {transform_indices = #map}, {transform_indices = #map}, {transform_indices = #map1}]} {
    %mul3A = arith.constant 2 : i32
    %mul3A_0 = arith.muli %arg1, %mul3A : i32
    %add3A = arith.addi %mul3A_0, %arg0 : i32
    %jit3A = arith.constant 4 : i32
    %div3A = arith.divsi %add3A, %jit3A : i32
    %sign3A = arith.constant 0 : i32
    %sign3A_1 = arith.cmpi sgt, %add3A, %sign3A : i32
    %sign3A_2 = arith.extui %sign3A_1 : i1 to i32
    %sign3A_3 = arith.constant 0 : i32
    %sign3A_4 = arith.cmpi slt, %add3A, %sign3A_3 : i32
    %sign3A_5 = arith.extui %sign3A_4 : i1 to i32
    %sign3A_6 = arith.subi %sign3A_2, %sign3A_5 : i32
    %sign3A_7 = arith.constant 0 : i32
    %sign3A_8 = arith.cmpi sgt, %jit3A, %sign3A_7 : i32
    %sign3A_9 = arith.extui %sign3A_8 : i1 to i32
    %sign3A_10 = arith.constant 0 : i32
    %sign3A_11 = arith.cmpi slt, %jit3A, %sign3A_10 : i32
    %sign3A_12 = arith.extui %sign3A_11 : i1 to i32
    %sign3A_13 = arith.subi %sign3A_9, %sign3A_12 : i32
    %ne3A = arith.cmpi ne, %sign3A_6, %sign3A_13 : i32
    %rem3A = arith.remsi %add3A, %jit3A : i32
    %ne3A_14 = arith.constant 0 : i32
    %ne3A_15 = arith.cmpi ne, %rem3A, %ne3A_14 : i32
    %and3A = arith.andi %ne3A, %ne3A_15 : i1
    %sub3A = arith.constant 1 : i32
    %sub3A_16 = arith.subi %div3A, %sub3A : i32
    %select_n3A = arith.select %and3A, %sub3A_16, %div3A : i32
    %jit3A_17 = arith.constant 4 : i32
    %eq3A = arith.constant 0 : i32
    %eq3A_18 = arith.cmpi eq, %jit3A_17, %eq3A : i32
    %jit3A_19 = arith.constant 1 : i32
    %select_n3A_20 = arith.select %eq3A_18, %jit3A_19, %jit3A_17 : i32
    %rem3A_21 = arith.remsi %add3A, %select_n3A_20 : i32
    %ne3A_22 = arith.constant 0 : i32
    %ne3A_23 = arith.cmpi ne, %rem3A_21, %ne3A_22 : i32
    %lt3A = arith.constant 0 : i32
    %lt3A_24 = arith.cmpi slt, %rem3A_21, %lt3A : i32
    %lt3A_25 = arith.constant 0 : i32
    %lt3A_26 = arith.cmpi slt, %select_n3A_20, %lt3A_25 : i32
    %ne3A_27 = arith.xori %lt3A_24, %lt3A_26 : i1
    %and3A_28 = arith.andi %ne3A_27, %ne3A_23 : i1
    %add3A_29 = arith.addi %rem3A_21, %select_n3A_20 : i32
    %select_n3A_30 = arith.select %and3A_28, %add3A_29, %rem3A_21 : i32
    %mul3A_31 = arith.constant 2048 : i32
    %mul3A_32 = arith.muli %select_n3A, %mul3A_31 : i32
    %mul3A_33 = arith.constant 512 : i32
    %mul3A_34 = arith.muli %select_n3A_30, %mul3A_33 : i32
    %add3A_35 = arith.addi %mul3A_32, %mul3A_34 : i32
    "tpu.region"() ({
      %run_scoped3A = tpu.sem_alloc : memref<!tpu.dma_semaphore, #tpu.memory_space<semaphore_mem>>
      %dma_start3A_87 = arith.constant 896 : i32
      %dma_start3A_88 = tpu.memref_slice %arg5[%select_n3A, %dma_start3A_87] : memref<8x1024xi32, #tpu.memory_space<hbm>> -> memref<1x128xi32, #tpu.memory_space<hbm>>
      %dma_start3A_89 = tpu.memref_squeeze %dma_start3A_88 : memref<1x128xi32, #tpu.memory_space<hbm>> -> memref<128xi32, #tpu.memory_space<hbm>>
      %dma_start3A_90 = arith.constant 896 : i32
      %dma_start3A_91 = tpu.memref_slice %arg5[%select_n3A, %dma_start3A_90] : memref<8x1024xi32, #tpu.memory_space<hbm>> -> memref<1x128xi32, #tpu.memory_space<hbm>>
      %dma_start3A_92 = tpu.memref_squeeze %dma_start3A_91 : memref<1x128xi32, #tpu.memory_space<hbm>> -> memref<128xi32, #tpu.memory_space<hbm>>
      tpu.enqueue_dma source(%dma_start3A_92 : memref<128xi32, #tpu.memory_space<hbm>>) target(%arg7 : memref<128xi32, #tpu.memory_space<vmem>>) target_semaphore(%run_scoped3A : memref<!tpu.dma_semaphore, #tpu.memory_space<semaphore_mem>>)
      %dma_wait3A = arith.constant 896 : i32
      %dma_wait3A_93 = tpu.memref_slice %arg5[%select_n3A, %dma_wait3A] : memref<8x1024xi32, #tpu.memory_space<hbm>> -> memref<1x128xi32, #tpu.memory_space<hbm>>
      %dma_wait3A_94 = tpu.memref_squeeze %dma_wait3A_93 : memref<1x128xi32, #tpu.memory_space<hbm>> -> memref<128xi32, #tpu.memory_space<hbm>>
      %dma_wait3A_95 = arith.constant 896 : i32
      %dma_wait3A_96 = tpu.memref_slice %arg5[%select_n3A, %dma_wait3A_95] : memref<8x1024xi32, #tpu.memory_space<hbm>> -> memref<1x128xi32, #tpu.memory_space<hbm>>
      %dma_wait3A_97 = tpu.memref_squeeze %dma_wait3A_96 : memref<1x128xi32, #tpu.memory_space<hbm>> -> memref<128xi32, #tpu.memory_space<hbm>>
      tpu.wait_dma2 semaphore(%run_scoped3A : memref<!tpu.dma_semaphore, #tpu.memory_space<semaphore_mem>>) src(%dma_wait3A_97 : memref<128xi32, #tpu.memory_space<hbm>>) dst(%arg7 : memref<128xi32, #tpu.memory_space<vmem>>)
      tpu.yield
    }) : () -> ()
    %mul3A_36 = arith.constant 32 : i32
    %mul3A_37 = arith.muli %select_n3A, %mul3A_36 : i32
    "tpu.region"() ({
      %run_scoped3A = tpu.sem_alloc : memref<!tpu.dma_semaphore, #tpu.memory_space<semaphore_mem>>
      %dma_start3A_87 = arith.constant 896 : i32
      %dma_start3A_88 = tpu.memref_slice %arg4[%mul3A_37, %dma_start3A_87] : memref<256x1024xf32, #tpu.memory_space<hbm>> -> memref<32x128xf32, #tpu.memory_space<hbm>>
      %dma_start3A_89 = arith.constant 896 : i32
      %dma_start3A_90 = tpu.memref_slice %arg4[%mul3A_37, %dma_start3A_89] : memref<256x1024xf32, #tpu.memory_space<hbm>> -> memref<32x128xf32, #tpu.memory_space<hbm>>
      tpu.enqueue_dma source(%dma_start3A_90 : memref<32x128xf32, #tpu.memory_space<hbm>>) target(%arg10 : memref<32x128xf32, #tpu.memory_space<vmem>>) target_semaphore(%run_scoped3A : memref<!tpu.dma_semaphore, #tpu.memory_space<semaphore_mem>>)
      %dma_wait3A = arith.constant 896 : i32
      %dma_wait3A_91 = tpu.memref_slice %arg4[%mul3A_37, %dma_wait3A] : memref<256x1024xf32, #tpu.memory_space<hbm>> -> memref<32x128xf32, #tpu.memory_space<hbm>>
      %dma_wait3A_92 = arith.constant 896 : i32
      %dma_wait3A_93 = tpu.memref_slice %arg4[%mul3A_37, %dma_wait3A_92] : memref<256x1024xf32, #tpu.memory_space<hbm>> -> memref<32x128xf32, #tpu.memory_space<hbm>>
      tpu.wait_dma2 semaphore(%run_scoped3A : memref<!tpu.dma_semaphore, #tpu.memory_space<semaphore_mem>>) src(%dma_wait3A_93 : memref<32x128xf32, #tpu.memory_space<hbm>>) dst(%arg10 : memref<32x128xf32, #tpu.memory_space<vmem>>)
      tpu.yield
    }) : () -> ()
    %scan3A = arith.constant 0 : i32
    %scan3A_38 = arith.constant 0 : i32
    %scan3A_39 = arith.constant 32 : i32
    %scan3A_40 = arith.addi %scan3A_38, %scan3A_39 : i32
    %scan3A_41 = arith.constant 1 : i32
    %scan3A_42 = scf.for %scan3A_87 = %scan3A_38 to %scan3A_40 step %scan3A_41 iter_args(%scan3A_88 = %scan3A) -> (i32)  : i32 {
      %broadcast_in_dim3A = arith.constant 0.000000e+00 : f32
      %broadcast_in_dim3A_89 = vector.broadcast %broadcast_in_dim3A : f32 to vector<16xf32>
      %swap3A = arith.index_cast %scan3A_87 : i32 to index
      %swap3A_90 = arith.constant 0 : index
      %swap3A_91 = tpu.vector_load %arg11[%swap3A, %swap3A_90] {strides = array<i32>} : memref<32x128xf32, #tpu.memory_space<vmem>>, vector<1x16xf32>,
      %swap3A_92 = vector.shape_cast %swap3A_91 : vector<1x16xf32> to vector<16xf32>
      %swap3A_93 = vector.shape_cast %broadcast_in_dim3A_89 : vector<16xf32> to vector<1x16xf32>
      tpu.vector_store %arg11[%swap3A, %swap3A_90], %swap3A_93 {strides = array<i32>} : memref<32x128xf32, #tpu.memory_space<vmem>>, vector<1x16xf32>,
      %broadcast_in_dim3A_94 = arith.constant 0.000000e+00 : f32
      %broadcast_in_dim3A_95 = vector.broadcast %broadcast_in_dim3A_94 : f32 to vector<16xf32>
      %swap3A_96 = arith.index_cast %scan3A_87 : i32 to index
      %swap3A_97 = arith.constant 0 : index
      %swap3A_98 = tpu.vector_load %arg12[%swap3A_96, %swap3A_97] {strides = array<i32>} : memref<32x128xf32, #tpu.memory_space<vmem>>, vector<1x16xf32>,
      %swap3A_99 = vector.shape_cast %swap3A_98 : vector<1x16xf32> to vector<16xf32>
      %swap3A_100 = vector.shape_cast %broadcast_in_dim3A_95 : vector<16xf32> to vector<1x16xf32>
      tpu.vector_store %arg12[%swap3A_96, %swap3A_97], %swap3A_100 {strides = array<i32>} : memref<32x128xf32, #tpu.memory_space<vmem>>, vector<1x16xf32>,
      %broadcast_in_dim3A_101 = arith.constant 0.000000e+00 : f32
      %broadcast_in_dim3A_102 = vector.broadcast %broadcast_in_dim3A_101 : f32 to vector<16xf32>
      %swap3A_103 = arith.index_cast %scan3A_87 : i32 to index
      %swap3A_104 = arith.constant 16 : index
      %swap3A_105 = tpu.vector_load %arg11[%swap3A_103, %swap3A_104] {strides = array<i32>} : memref<32x128xf32, #tpu.memory_space<vmem>>, vector<1x16xf32>,
      %swap3A_106 = vector.shape_cast %swap3A_105 : vector<1x16xf32> to vector<16xf32>
      %swap3A_107 = vector.shape_cast %broadcast_in_dim3A_102 : vector<16xf32> to vector<1x16xf32>
      tpu.vector_store %arg11[%swap3A_103, %swap3A_104], %swap3A_107 {strides = array<i32>} : memref<32x128xf32, #tpu.memory_space<vmem>>, vector<1x16xf32>,
      %broadcast_in_dim3A_108 = arith.constant 0.000000e+00 : f32
      %broadcast_in_dim3A_109 = vector.broadcast %broadcast_in_dim3A_108 : f32 to vector<16xf32>
      %swap3A_110 = arith.index_cast %scan3A_87 : i32 to index
      %swap3A_111 = arith.constant 16 : index
      %swap3A_112 = tpu.vector_load %arg12[%swap3A_110, %swap3A_111] {strides = array<i32>} : memref<32x128xf32, #tpu.memory_space<vmem>>, vector<1x16xf32>,
      %swap3A_113 = vector.shape_cast %swap3A_112 : vector<1x16xf32> to vector<16xf32>
      %swap3A_114 = vector.shape_cast %broadcast_in_dim3A_109 : vector<16xf32> to vector<1x16xf32>
      tpu.vector_store %arg12[%swap3A_110, %swap3A_111], %swap3A_114 {strides = array<i32>} : memref<32x128xf32, #tpu.memory_space<vmem>>, vector<1x16xf32>,
      %broadcast_in_dim3A_115 = arith.constant 0.000000e+00 : f32
      %broadcast_in_dim3A_116 = vector.broadcast %broadcast_in_dim3A_115 : f32 to vector<16xf32>
      %swap3A_117 = arith.index_cast %scan3A_87 : i32 to index
      %swap3A_118 = arith.constant 32 : index
      %swap3A_119 = tpu.vector_load %arg11[%swap3A_117, %swap3A_118] {strides = array<i32>} : memref<32x128xf32, #tpu.memory_space<vmem>>, vector<1x16xf32>,
      %swap3A_120 = vector.shape_cast %swap3A_119 : vector<1x16xf32> to vector<16xf32>
      %swap3A_121 = vector.shape_cast %broadcast_in_dim3A_116 : vector<16xf32> to vector<1x16xf32>
      tpu.vector_store %arg11[%swap3A_117, %swap3A_118], %swap3A_121 {strides = array<i32>} : memref<32x128xf32, #tpu.memory_space<vmem>>, vector<1x16xf32>,
      %broadcast_in_dim3A_122 = arith.constant 0.000000e+00 : f32
      %broadcast_in_dim3A_123 = vector.broadcast %broadcast_in_dim3A_122 : f32 to vector<16xf32>
      %swap3A_124 = arith.index_cast %scan3A_87 : i32 to index
      %swap3A_125 = arith.constant 32 : index
      %swap3A_126 = tpu.vector_load %arg12[%swap3A_124, %swap3A_125] {strides = array<i32>} : memref<32x128xf32, #tpu.memory_space<vmem>>, vector<1x16xf32>,
      %swap3A_127 = vector.shape_cast %swap3A_126 : vector<1x16xf32> to vector<16xf32>
      %swap3A_128 = vector.shape_cast %broadcast_in_dim3A_123 : vector<16xf32> to vector<1x16xf32>
      tpu.vector_store %arg12[%swap3A_124, %swap3A_125], %swap3A_128 {strides = array<i32>} : memref<32x128xf32, #tpu.memory_space<vmem>>, vector<1x16xf32>,
      %broadcast_in_dim3A_129 = arith.constant 0.000000e+00 : f32
      %broadcast_in_dim3A_130 = vector.broadcast %broadcast_in_dim3A_129 : f32 to vector<16xf32>
      %swap3A_131 = arith.index_cast %scan3A_87 : i32 to index
      %swap3A_132 = arith.constant 48 : index
      %swap3A_133 = tpu.vector_load %arg11[%swap3A_131, %swap3A_132] {strides = array<i32>} : memref<32x128xf32, #tpu.memory_space<vmem>>, vector<1x16xf32>,
      %swap3A_134 = vector.shape_cast %swap3A_133 : vector<1x16xf32> to vector<16xf32>
      %swap3A_135 = vector.shape_cast %broadcast_in_dim3A_130 : vector<16xf32> to vector<1x16xf32>
      tpu.vector_store %arg11[%swap3A_131, %swap3A_132], %swap3A_135 {strides = array<i32>} : memref<32x128xf32, #tpu.memory_space<vmem>>, vector<1x16xf32>,
      %broadcast_in_dim3A_136 = arith.constant 0.000000e+00 : f32
      %broadcast_in_dim3A_137 = vector.broadcast %broadcast_in_dim3A_136 : f32 to vector<16xf32>
      %swap3A_138 = arith.index_cast %scan3A_87 : i32 to index
      %swap3A_139 = arith.constant 48 : index
      %swap3A_140 = tpu.vector_load %arg12[%swap3A_138, %swap3A_139] {strides = array<i32>} : memref<32x128xf32, #tpu.memory_space<vmem>>, vector<1x16xf32>,
      %swap3A_141 = vector.shape_cast %swap3A_140 : vector<1x16xf32> to vector<16xf32>
      %swap3A_142 = vector.shape_cast %broadcast_in_dim3A_137 : vector<16xf32> to vector<1x16xf32>
      tpu.vector_store %arg12[%swap3A_138, %swap3A_139], %swap3A_142 {strides = array<i32>} : memref<32x128xf32, #tpu.memory_space<vmem>>, vector<1x16xf32>,
      %broadcast_in_dim3A_143 = arith.constant 0.000000e+00 : f32
      %broadcast_in_dim3A_144 = vector.broadcast %broadcast_in_dim3A_143 : f32 to vector<16xf32>
      %swap3A_145 = arith.index_cast %scan3A_87 : i32 to index
      %swap3A_146 = arith.constant 64 : index
      %swap3A_147 = tpu.vector_load %arg11[%swap3A_145, %swap3A_146] {strides = array<i32>} : memref<32x128xf32, #tpu.memory_space<vmem>>, vector<1x16xf32>,
      %swap3A_148 = vector.shape_cast %swap3A_147 : vector<1x16xf32> to vector<16xf32>
      %swap3A_149 = vector.shape_cast %broadcast_in_dim3A_144 : vector<16xf32> to vector<1x16xf32>
      tpu.vector_store %arg11[%swap3A_145, %swap3A_146], %swap3A_149 {strides = array<i32>} : memref<32x128xf32, #tpu.memory_space<vmem>>, vector<1x16xf32>,
      %broadcast_in_dim3A_150 = arith.constant 0.000000e+00 : f32
      %broadcast_in_dim3A_151 = vector.broadcast %broadcast_in_dim3A_150 : f32 to vector<16xf32>
      %swap3A_152 = arith.index_cast %scan3A_87 : i32 to index
      %swap3A_153 = arith.constant 64 : index
      %swap3A_154 = tpu.vector_load %arg12[%swap3A_152, %swap3A_153] {strides = array<i32>} : memref<32x128xf32, #tpu.memory_space<vmem>>, vector<1x16xf32>,
      %swap3A_155 = vector.shape_cast %swap3A_154 : vector<1x16xf32> to vector<16xf32>
      %swap3A_156 = vector.shape_cast %broadcast_in_dim3A_151 : vector<16xf32> to vector<1x16xf32>
      tpu.vector_store %arg12[%swap3A_152, %swap3A_153], %swap3A_156 {strides = array<i32>} : memref<32x128xf32, #tpu.memory_space<vmem>>, vector<1x16xf32>,
      %broadcast_in_dim3A_157 = arith.constant 0.000000e+00 : f32
      %broadcast_in_dim3A_158 = vector.broadcast %broadcast_in_dim3A_157 : f32 to vector<16xf32>
      %swap3A_159 = arith.index_cast %scan3A_87 : i32 to index
      %swap3A_160 = arith.constant 80 : index
      %swap3A_161 = tpu.vector_load %arg11[%swap3A_159, %swap3A_160] {strides = array<i32>} : memref<32x128xf32, #tpu.memory_space<vmem>>, vector<1x16xf32>,
      %swap3A_162 = vector.shape_cast %swap3A_161 : vector<1x16xf32> to vector<16xf32>
      %swap3A_163 = vector.shape_cast %broadcast_in_dim3A_158 : vector<16xf32> to vector<1x16xf32>
      tpu.vector_store %arg11[%swap3A_159, %swap3A_160], %swap3A_163 {strides = array<i32>} : memref<32x128xf32, #tpu.memory_space<vmem>>, vector<1x16xf32>,
      %broadcast_in_dim3A_164 = arith.constant 0.000000e+00 : f32
      %broadcast_in_dim3A_165 = vector.broadcast %broadcast_in_dim3A_164 : f32 to vector<16xf32>
      %swap3A_166 = arith.index_cast %scan3A_87 : i32 to index
      %swap3A_167 = arith.constant 80 : index
      %swap3A_168 = tpu.vector_load %arg12[%swap3A_166, %swap3A_167] {strides = array<i32>} : memref<32x128xf32, #tpu.memory_space<vmem>>, vector<1x16xf32>,
      %swap3A_169 = vector.shape_cast %swap3A_168 : vector<1x16xf32> to vector<16xf32>
      %swap3A_170 = vector.shape_cast %broadcast_in_dim3A_165 : vector<16xf32> to vector<1x16xf32>
      tpu.vector_store %arg12[%swap3A_166, %swap3A_167], %swap3A_170 {strides = array<i32>} : memref<32x128xf32, #tpu.memory_space<vmem>>, vector<1x16xf32>,
      %broadcast_in_dim3A_171 = arith.constant 0.000000e+00 : f32
      %broadcast_in_dim3A_172 = vector.broadcast %broadcast_in_dim3A_171 : f32 to vector<16xf32>
      %swap3A_173 = arith.index_cast %scan3A_87 : i32 to index
      %swap3A_174 = arith.constant 96 : index
      %swap3A_175 = tpu.vector_load %arg11[%swap3A_173, %swap3A_174] {strides = array<i32>} : memref<32x128xf32, #tpu.memory_space<vmem>>, vector<1x16xf32>,
      %swap3A_176 = vector.shape_cast %swap3A_175 : vector<1x16xf32> to vector<16xf32>
      %swap3A_177 = vector.shape_cast %broadcast_in_dim3A_172 : vector<16xf32> to vector<1x16xf32>
      tpu.vector_store %arg11[%swap3A_173, %swap3A_174], %swap3A_177 {strides = array<i32>} : memref<32x128xf32, #tpu.memory_space<vmem>>, vector<1x16xf32>,
      %broadcast_in_dim3A_178 = arith.constant 0.000000e+00 : f32
      %broadcast_in_dim3A_179 = vector.broadcast %broadcast_in_dim3A_178 : f32 to vector<16xf32>
      %swap3A_180 = arith.index_cast %scan3A_87 : i32 to index
      %swap3A_181 = arith.constant 96 : index
      %swap3A_182 = tpu.vector_load %arg12[%swap3A_180, %swap3A_181] {strides = array<i32>} : memref<32x128xf32, #tpu.memory_space<vmem>>, vector<1x16xf32>,
      %swap3A_183 = vector.shape_cast %swap3A_182 : vector<1x16xf32> to vector<16xf32>
      %swap3A_184 = vector.shape_cast %broadcast_in_dim3A_179 : vector<16xf32> to vector<1x16xf32>
      tpu.vector_store %arg12[%swap3A_180, %swap3A_181], %swap3A_184 {strides = array<i32>} : memref<32x128xf32, #tpu.memory_space<vmem>>, vector<1x16xf32>,
      %broadcast_in_dim3A_185 = arith.constant 0.000000e+00 : f32
      %broadcast_in_dim3A_186 = vector.broadcast %broadcast_in_dim3A_185 : f32 to vector<16xf32>
      %swap3A_187 = arith.index_cast %scan3A_87 : i32 to index
      %swap3A_188 = arith.constant 112 : index
      %swap3A_189 = tpu.vector_load %arg11[%swap3A_187, %swap3A_188] {strides = array<i32>} : memref<32x128xf32, #tpu.memory_space<vmem>>, vector<1x16xf32>,
      %swap3A_190 = vector.shape_cast %swap3A_189 : vector<1x16xf32> to vector<16xf32>
      %swap3A_191 = vector.shape_cast %broadcast_in_dim3A_186 : vector<16xf32> to vector<1x16xf32>
      tpu.vector_store %arg11[%swap3A_187, %swap3A_188], %swap3A_191 {strides = array<i32>} : memref<32x128xf32, #tpu.memory_space<vmem>>, vector<1x16xf32>,
      %broadcast_in_dim3A_192 = arith.constant 0.000000e+00 : f32
      %broadcast_in_dim3A_193 = vector.broadcast %broadcast_in_dim3A_192 : f32 to vector<16xf32>
      %swap3A_194 = arith.index_cast %scan3A_87 : i32 to index
      %swap3A_195 = arith.constant 112 : index
      %swap3A_196 = tpu.vector_load %arg12[%swap3A_194, %swap3A_195] {strides = array<i32>} : memref<32x128xf32, #tpu.memory_space<vmem>>, vector<1x16xf32>,
      %swap3A_197 = vector.shape_cast %swap3A_196 : vector<1x16xf32> to vector<16xf32>
      %swap3A_198 = vector.shape_cast %broadcast_in_dim3A_193 : vector<16xf32> to vector<1x16xf32>
      tpu.vector_store %arg12[%swap3A_194, %swap3A_195], %swap3A_198 {strides = array<i32>} : memref<32x128xf32, #tpu.memory_space<vmem>>, vector<1x16xf32>,
      %scan3A_199 = arith.constant 0 : i32
      scf.yield %scan3A_199 : i32
    }
    %scan3A_43 = arith.constant 32 : i32
    %add3A_44 = arith.constant 0 : i32
    %add3A_45 = arith.addi %add3A_35, %add3A_44 : i32
    %dma_start3A = arith.constant 0 : i32
    %dma_start3A_46 = arith.constant 0 : i32
    %dma_start3A_47 = arith.constant 0 : i32
    %dma_start3A_48 = tpu.memref_slice %arg8[%dma_start3A, %dma_start3A_46, %dma_start3A_47] : memref<2x128x128xf32, #tpu.memory_space<vmem>> -> memref<1x128x128xf32, #tpu.memory_space<vmem>>
    %dma_start3A_49 = tpu.memref_squeeze %dma_start3A_48 : memref<1x128x128xf32, #tpu.memory_space<vmem>> -> memref<128x128xf32, #tpu.memory_space<vmem>>
    %dma_start3A_50 = arith.constant 896 : i32
    %dma_start3A_51 = tpu.memref_slice %arg2[%add3A_45, %dma_start3A_50] : memref<16384x1024xf32, #tpu.memory_space<hbm>> -> memref<128x128xf32, #tpu.memory_space<hbm>>
    %dma_start3A_52 = arith.constant 0 : i32
    %dma_start3A_53 = arith.constant 0 : i32
    %dma_start3A_54 = tpu.memref_slice %arg8[%dma_start3A, %dma_start3A_52, %dma_start3A_53] : memref<2x128x128xf32, #tpu.memory_space<vmem>> -> memref<1x128x128xf32, #tpu.memory_space<vmem>>
    %dma_start3A_55 = tpu.memref_squeeze %dma_start3A_54 : memref<1x128x128xf32, #tpu.memory_space<vmem>> -> memref<128x128xf32, #tpu.memory_space<vmem>>
    %dma_start3A_56 = arith.constant 896 : i32
    %dma_start3A_57 = tpu.memref_slice %arg2[%add3A_45, %dma_start3A_56] : memref<16384x1024xf32, #tpu.memory_space<hbm>> -> memref<128x128xf32, #tpu.memory_space<hbm>>
    tpu.enqueue_dma source(%dma_start3A_57 : memref<128x128xf32, #tpu.memory_space<hbm>>) target(%dma_start3A_55 : memref<128x128xf32, #tpu.memory_space<vmem>>) target_semaphore(%arg13 : memref<!tpu.dma_semaphore, #tpu.memory_space<semaphore_mem>>)
    %dma_start3A_58 = arith.constant 0 : i32
    %dma_start3A_59 = arith.constant 0 : i32
    %dma_start3A_60 = arith.constant 0 : i32
    %dma_start3A_61 = tpu.memref_slice %arg9[%dma_start3A_58, %dma_start3A_59, %dma_start3A_60] : memref<2x128x128xf32, #tpu.memory_space<vmem>> -> memref<1x128x128xf32, #tpu.memory_space<vmem>>
    %dma_start3A_62 = tpu.memref_squeeze %dma_start3A_61 : memref<1x128x128xf32, #tpu.memory_space<vmem>> -> memref<128x128xf32, #tpu.memory_space<vmem>>
    %dma_start3A_63 = arith.constant 896 : i32
    %dma_start3A_64 = tpu.memref_slice %arg3[%add3A_45, %dma_start3A_63] : memref<16384x1024xf32, #tpu.memory_space<hbm>> -> memref<128x128xf32, #tpu.memory_space<hbm>>
    %dma_start3A_65 = arith.constant 0 : i32
    %dma_start3A_66 = arith.constant 0 : i32
    %dma_start3A_67 = tpu.memref_slice %arg9[%dma_start3A_58, %dma_start3A_65, %dma_start3A_66] : memref<2x128x128xf32, #tpu.memory_space<vmem>> -> memref<1x128x128xf32, #tpu.memory_space<vmem>>
    %dma_start3A_68 = tpu.memref_squeeze %dma_start3A_67 : memref<1x128x128xf32, #tpu.memory_space<vmem>> -> memref<128x128xf32, #tpu.memory_space<vmem>>
    %dma_start3A_69 = arith.constant 896 : i32
    %dma_start3A_70 = tpu.memref_slice %arg3[%add3A_45, %dma_start3A_69] : memref<16384x1024xf32, #tpu.memory_space<hbm>> -> memref<128x128xf32, #tpu.memory_space<hbm>>
    tpu.enqueue_dma source(%dma_start3A_70 : memref<128x128xf32, #tpu.memory_space<hbm>>) target(%dma_start3A_68 : memref<128x128xf32, #tpu.memory_space<vmem>>) target_semaphore(%arg14 : memref<!tpu.dma_semaphore, #tpu.memory_space<semaphore_mem>>)
    %scan3A_71 = arith.constant 0 : i32
    %scan3A_72 = arith.constant 0 : i32
    %scan3A_73 = arith.constant 4 : i32
    %scan3A_74 = arith.addi %scan3A_72, %scan3A_73 : i32
    %scan3A_75 = arith.constant 1 : i32
    %scan3A_76 = scf.for %scan3A_87 = %scan3A_72 to %scan3A_74 step %scan3A_75 iter_args(%scan3A_88 = %scan3A_71) -> (i32)  : i32 {
      %rem3A_89 = arith.constant 2 : i32
      %rem3A_90 = arith.remsi %scan3A_87, %rem3A_89 : i32
      %dma_wait3A = arith.constant 0 : i32
      %dma_wait3A_91 = arith.constant 0 : i32
      %dma_wait3A_92 = tpu.memref_slice %arg8[%rem3A_90, %dma_wait3A, %dma_wait3A_91] : memref<2x128x128xf32, #tpu.memory_space<vmem>> -> memref<1x128x128xf32, #tpu.memory_space<vmem>>
      %dma_wait3A_93 = tpu.memref_squeeze %dma_wait3A_92 : memref<1x128x128xf32, #tpu.memory_space<vmem>> -> memref<128x128xf32, #tpu.memory_space<vmem>>
      %dma_wait3A_94 = arith.constant 0 : i32
      %dma_wait3A_95 = arith.constant 0 : i32
      %dma_wait3A_96 = tpu.memref_slice %arg2[%dma_wait3A_94, %dma_wait3A_95] : memref<16384x1024xf32, #tpu.memory_space<hbm>> -> memref<128x128xf32, #tpu.memory_space<hbm>>
      %dma_wait3A_97 = arith.constant 0 : i32
      %dma_wait3A_98 = arith.constant 0 : i32
      %dma_wait3A_99 = tpu.memref_slice %arg8[%rem3A_90, %dma_wait3A_97, %dma_wait3A_98] : memref<2x128x128xf32, #tpu.memory_space<vmem>> -> memref<1x128x128xf32, #tpu.memory_space<vmem>>
      %dma_wait3A_100 = tpu.memref_squeeze %dma_wait3A_99 : memref<1x128x128xf32, #tpu.memory_space<vmem>> -> memref<128x128xf32, #tpu.memory_space<vmem>>
      %dma_wait3A_101 = arith.constant 0 : i32
      %dma_wait3A_102 = arith.constant 0 : i32
      %dma_wait3A_103 = tpu.memref_slice %arg2[%dma_wait3A_101, %dma_wait3A_102] : memref<16384x1024xf32, #tpu.memory_space<hbm>> -> memref<128x128xf32, #tpu.memory_space<hbm>>
      tpu.wait_dma2 semaphore(%arg13 : memref<!tpu.dma_semaphore, #tpu.memory_space<semaphore_mem>>) src(%dma_wait3A_103 : memref<128x128xf32, #tpu.memory_space<hbm>>) dst(%dma_wait3A_100 : memref<128x128xf32, #tpu.memory_space<vmem>>)
      %dma_wait3A_104 = arith.constant 0 : i32
      %dma_wait3A_105 = arith.constant 0 : i32
      %dma_wait3A_106 = tpu.memref_slice %arg9[%rem3A_90, %dma_wait3A_104, %dma_wait3A_105] : memref<2x128x128xf32, #tpu.memory_space<vmem>> -> memref<1x128x128xf32, #tpu.memory_space<vmem>>
      %dma_wait3A_107 = tpu.memref_squeeze %dma_wait3A_106 : memref<1x128x128xf32, #tpu.memory_space<vmem>> -> memref<128x128xf32, #tpu.memory_space<vmem>>
      %dma_wait3A_108 = arith.constant 0 : i32
      %dma_wait3A_109 = arith.constant 0 : i32
      %dma_wait3A_110 = tpu.memref_slice %arg3[%dma_wait3A_108, %dma_wait3A_109] : memref<16384x1024xf32, #tpu.memory_space<hbm>> -> memref<128x128xf32, #tpu.memory_space<hbm>>
      %dma_wait3A_111 = arith.constant 0 : i32
      %dma_wait3A_112 = arith.constant 0 : i32
      %dma_wait3A_113 = tpu.memref_slice %arg9[%rem3A_90, %dma_wait3A_111, %dma_wait3A_112] : memref<2x128x128xf32, #tpu.memory_space<vmem>> -> memref<1x128x128xf32, #tpu.memory_space<vmem>>
      %dma_wait3A_114 = tpu.memref_squeeze %dma_wait3A_113 : memref<1x128x128xf32, #tpu.memory_space<vmem>> -> memref<128x128xf32, #tpu.memory_space<vmem>>
      %dma_wait3A_115 = arith.constant 0 : i32
      %dma_wait3A_116 = arith.constant 0 : i32
      %dma_wait3A_117 = tpu.memref_slice %arg3[%dma_wait3A_115, %dma_wait3A_116] : memref<16384x1024xf32, #tpu.memory_space<hbm>> -> memref<128x128xf32, #tpu.memory_space<hbm>>
      tpu.wait_dma2 semaphore(%arg14 : memref<!tpu.dma_semaphore, #tpu.memory_space<semaphore_mem>>) src(%dma_wait3A_117 : memref<128x128xf32, #tpu.memory_space<hbm>>) dst(%dma_wait3A_114 : memref<128x128xf32, #tpu.memory_space<vmem>>)
      %lt3A_118 = arith.constant 3 : i32
      %lt3A_119 = arith.cmpi slt, %scan3A_87, %lt3A_118 : i32
      %convert_element_type3A = arith.extui %lt3A_119 : i1 to i32
      %cond3A = arith.constant 0 : i32
      %cond3A_120 = arith.cmpi ne, %convert_element_type3A, %cond3A : i32
      scf.if %cond3A_120 {
        %add3A_134 = arith.constant 1 : i32
        %add3A_135 = arith.addi %scan3A_87, %add3A_134 : i32
        %sub3A_136 = arith.constant 1 : i32
        %sub3A_137 = arith.subi %sub3A_136, %rem3A_90 : i32
        %mul3A_138 = arith.constant 128 : i32
        %mul3A_139 = arith.muli %add3A_135, %mul3A_138 : i32
        %add3A_140 = arith.addi %add3A_35, %mul3A_139 : i32
        %dma_start3A_141 = arith.constant 0 : i32
        %dma_start3A_142 = arith.constant 0 : i32
        %dma_start3A_143 = tpu.memref_slice %arg8[%sub3A_137, %dma_start3A_141, %dma_start3A_142] : memref<2x128x128xf32, #tpu.memory_space<vmem>> -> memref<1x128x128xf32, #tpu.memory_space<vmem>>
        %dma_start3A_144 = tpu.memref_squeeze %dma_start3A_143 : memref<1x128x128xf32, #tpu.memory_space<vmem>> -> memref<128x128xf32, #tpu.memory_space<vmem>>
        %dma_start3A_145 = arith.constant 896 : i32
        %dma_start3A_146 = tpu.memref_slice %arg2[%add3A_140, %dma_start3A_145] : memref<16384x1024xf32, #tpu.memory_space<hbm>> -> memref<128x128xf32, #tpu.memory_space<hbm>>
        %dma_start3A_147 = arith.constant 0 : i32
        %dma_start3A_148 = arith.constant 0 : i32
        %dma_start3A_149 = tpu.memref_slice %arg8[%sub3A_137, %dma_start3A_147, %dma_start3A_148] : memref<2x128x128xf32, #tpu.memory_space<vmem>> -> memref<1x128x128xf32, #tpu.memory_space<vmem>>
        %dma_start3A_150 = tpu.memref_squeeze %dma_start3A_149 : memref<1x128x128xf32, #tpu.memory_space<vmem>> -> memref<128x128xf32, #tpu.memory_space<vmem>>
        %dma_start3A_151 = arith.constant 896 : i32
        %dma_start3A_152 = tpu.memref_slice %arg2[%add3A_140, %dma_start3A_151] : memref<16384x1024xf32, #tpu.memory_space<hbm>> -> memref<128x128xf32, #tpu.memory_space<hbm>>
        tpu.enqueue_dma source(%dma_start3A_152 : memref<128x128xf32, #tpu.memory_space<hbm>>) target(%dma_start3A_150 : memref<128x128xf32, #tpu.memory_space<vmem>>) target_semaphore(%arg13 : memref<!tpu.dma_semaphore, #tpu.memory_space<semaphore_mem>>)
        %dma_start3A_153 = arith.constant 0 : i32
        %dma_start3A_154 = arith.constant 0 : i32
        %dma_start3A_155 = tpu.memref_slice %arg9[%sub3A_137, %dma_start3A_153, %dma_start3A_154] : memref<2x128x128xf32, #tpu.memory_space<vmem>> -> memref<1x128x128xf32, #tpu.memory_space<vmem>>
        %dma_start3A_156 = tpu.memref_squeeze %dma_start3A_155 : memref<1x128x128xf32, #tpu.memory_space<vmem>> -> memref<128x128xf32, #tpu.memory_space<vmem>>
        %dma_start3A_157 = arith.constant 896 : i32
        %dma_start3A_158 = tpu.memref_slice %arg3[%add3A_140, %dma_start3A_157] : memref<16384x1024xf32, #tpu.memory_space<hbm>> -> memref<128x128xf32, #tpu.memory_space<hbm>>
        %dma_start3A_159 = arith.constant 0 : i32
        %dma_start3A_160 = arith.constant 0 : i32
        %dma_start3A_161 = tpu.memref_slice %arg9[%sub3A_137, %dma_start3A_159, %dma_start3A_160] : memref<2x128x128xf32, #tpu.memory_space<vmem>> -> memref<1x128x128xf32, #tpu.memory_space<vmem>>
        %dma_start3A_162 = tpu.memref_squeeze %dma_start3A_161 : memref<1x128x128xf32, #tpu.memory_space<vmem>> -> memref<128x128xf32, #tpu.memory_space<vmem>>
        %dma_start3A_163 = arith.constant 896 : i32
        %dma_start3A_164 = tpu.memref_slice %arg3[%add3A_140, %dma_start3A_163] : memref<16384x1024xf32, #tpu.memory_space<hbm>> -> memref<128x128xf32, #tpu.memory_space<hbm>>
        tpu.enqueue_dma source(%dma_start3A_164 : memref<128x128xf32, #tpu.memory_space<hbm>>) target(%dma_start3A_162 : memref<128x128xf32, #tpu.memory_space<vmem>>) target_semaphore(%arg14 : memref<!tpu.dma_semaphore, #tpu.memory_space<semaphore_mem>>)
      } else {
      }
      %mul3A_121 = arith.constant 16 : i32
      %mul3A_122 = arith.muli %select_n3A_30, %mul3A_121 : i32
      %mul3A_123 = arith.constant 4 : i32
      %mul3A_124 = arith.muli %scan3A_87, %mul3A_123 : i32
      %add3A_125 = arith.addi %mul3A_122, %mul3A_124 : i32
      %scan3A_126 = arith.constant 0 : i32
      %scan3A_127 = arith.constant 0 : i32
      %scan3A_128 = arith.constant 32 : i32
      %scan3A_129 = arith.addi %scan3A_127, %scan3A_128 : i32
      %scan3A_130 = arith.constant 1 : i32
      %scan3A_131 = scf.for %scan3A_134 = %scan3A_127 to %scan3A_129 step %scan3A_130 iter_args(%scan3A_135 = %scan3A_126) -> (i32)  : i32 {
        %get3A = arith.constant 0 : index
        %get3A_136 = tpu.vector_load %arg7[%get3A] {strides = array<i32>} : memref<128xi32, #tpu.memory_space<vmem>>, vector<16xi32>,
        %get3A_137 = vector.shape_cast %get3A_136 : vector<16xi32> to vector<16xi32>
        %get3A_138 = arith.index_cast %scan3A_134 : i32 to index
        %get3A_139 = arith.constant 0 : index
        %get3A_140 = tpu.vector_load %arg11[%get3A_138, %get3A_139] {strides = array<i32>} : memref<32x128xf32, #tpu.memory_space<vmem>>, vector<1x16xf32>,
        %get3A_141 = vector.shape_cast %get3A_140 : vector<1x16xf32> to vector<16xf32>
        %get3A_142 = arith.index_cast %scan3A_134 : i32 to index
        %get3A_143 = arith.constant 0 : index
        %get3A_144 = tpu.vector_load %arg12[%get3A_142, %get3A_143] {strides = array<i32>} : memref<32x128xf32, #tpu.memory_space<vmem>>, vector<1x16xf32>,
        %get3A_145 = vector.shape_cast %get3A_144 : vector<1x16xf32> to vector<16xf32>
        %add3A_146 = arith.constant 0 : i32
        %add3A_147 = arith.addi %add3A_125, %add3A_146 : i32
        %eq3A_148 = vector.broadcast %add3A_147 : i32 to vector<16xi32>
        %eq3A_149 = arith.cmpi eq, %get3A_137, %eq3A_148 : vector<16xi32>
        %add3A_150 = arith.constant 0 : i32
        %add3A_151 = arith.addi %add3A_150, %scan3A_134 : i32
        %get3A_152 = arith.index_cast %rem3A_90 : i32 to index
        %get3A_153 = arith.index_cast %add3A_151 : i32 to index
        %get3A_154 = arith.constant 0 : index
        %get3A_155 = tpu.vector_load %arg8[%get3A_152, %get3A_153, %get3A_154] {strides = array<i32>} : memref<2x128x128xf32, #tpu.memory_space<vmem>>, vector<1x1x16xf32>,
        %get3A_156 = vector.shape_cast %get3A_155 : vector<1x1x16xf32> to vector<16xf32>
        %select_n3A_157 = arith.select %eq3A_149, %get3A_156, %get3A_141 : vector<16xi1>, vector<16xf32>
        %add3A_158 = arith.constant 0 : i32
        %add3A_159 = arith.addi %add3A_158, %scan3A_134 : i32
        %get3A_160 = arith.index_cast %rem3A_90 : i32 to index
        %get3A_161 = arith.index_cast %add3A_159 : i32 to index
        %get3A_162 = arith.constant 0 : index
        %get3A_163 = tpu.vector_load %arg9[%get3A_160, %get3A_161, %get3A_162] {strides = array<i32>} : memref<2x128x128xf32, #tpu.memory_space<vmem>>, vector<1x1x16xf32>,
        %get3A_164 = vector.shape_cast %get3A_163 : vector<1x1x16xf32> to vector<16xf32>
        %select_n3A_165 = arith.select %eq3A_149, %get3A_164, %get3A_145 : vector<16xi1>, vector<16xf32>
        %add3A_166 = arith.constant 1 : i32
        %add3A_167 = arith.addi %add3A_125, %add3A_166 : i32
        %eq3A_168 = vector.broadcast %add3A_167 : i32 to vector<16xi32>
        %eq3A_169 = arith.cmpi eq, %get3A_137, %eq3A_168 : vector<16xi32>
        %add3A_170 = arith.constant 32 : i32
        %add3A_171 = arith.addi %add3A_170, %scan3A_134 : i32
        %get3A_172 = arith.index_cast %rem3A_90 : i32 to index
        %get3A_173 = arith.index_cast %add3A_171 : i32 to index
        %get3A_174 = arith.constant 0 : index
        %get3A_175 = tpu.vector_load %arg8[%get3A_172, %get3A_173, %get3A_174] {strides = array<i32>} : memref<2x128x128xf32, #tpu.memory_space<vmem>>, vector<1x1x16xf32>,
        %get3A_176 = vector.shape_cast %get3A_175 : vector<1x1x16xf32> to vector<16xf32>
        %select_n3A_177 = arith.select %eq3A_169, %get3A_176, %select_n3A_157 : vector<16xi1>, vector<16xf32>
        %add3A_178 = arith.constant 32 : i32
        %add3A_179 = arith.addi %add3A_178, %scan3A_134 : i32
        %get3A_180 = arith.index_cast %rem3A_90 : i32 to index
        %get3A_181 = arith.index_cast %add3A_179 : i32 to index
        %get3A_182 = arith.constant 0 : index
        %get3A_183 = tpu.vector_load %arg9[%get3A_180, %get3A_181, %get3A_182] {strides = array<i32>} : memref<2x128x128xf32, #tpu.memory_space<vmem>>, vector<1x1x16xf32>,
        %get3A_184 = vector.shape_cast %get3A_183 : vector<1x1x16xf32> to vector<16xf32>
        %select_n3A_185 = arith.select %eq3A_169, %get3A_184, %select_n3A_165 : vector<16xi1>, vector<16xf32>
        %add3A_186 = arith.constant 2 : i32
        %add3A_187 = arith.addi %add3A_125, %add3A_186 : i32
        %eq3A_188 = vector.broadcast %add3A_187 : i32 to vector<16xi32>
        %eq3A_189 = arith.cmpi eq, %get3A_137, %eq3A_188 : vector<16xi32>
        %add3A_190 = arith.constant 64 : i32
        %add3A_191 = arith.addi %add3A_190, %scan3A_134 : i32
        %get3A_192 = arith.index_cast %rem3A_90 : i32 to index
        %get3A_193 = arith.index_cast %add3A_191 : i32 to index
        %get3A_194 = arith.constant 0 : index
        %get3A_195 = tpu.vector_load %arg8[%get3A_192, %get3A_193, %get3A_194] {strides = array<i32>} : memref<2x128x128xf32, #tpu.memory_space<vmem>>, vector<1x1x16xf32>,
        %get3A_196 = vector.shape_cast %get3A_195 : vector<1x1x16xf32> to vector<16xf32>
        %select_n3A_197 = arith.select %eq3A_189, %get3A_196, %select_n3A_177 : vector<16xi1>, vector<16xf32>
        %add3A_198 = arith.constant 64 : i32
        %add3A_199 = arith.addi %add3A_198, %scan3A_134 : i32
        %get3A_200 = arith.index_cast %rem3A_90 : i32 to index
        %get3A_201 = arith.index_cast %add3A_199 : i32 to index
        %get3A_202 = arith.constant 0 : index
        %get3A_203 = tpu.vector_load %arg9[%get3A_200, %get3A_201, %get3A_202] {strides = array<i32>} : memref<2x128x128xf32, #tpu.memory_space<vmem>>, vector<1x1x16xf32>,
        %get3A_204 = vector.shape_cast %get3A_203 : vector<1x1x16xf32> to vector<16xf32>
        %select_n3A_205 = arith.select %eq3A_189, %get3A_204, %select_n3A_185 : vector<16xi1>, vector<16xf32>
        %add3A_206 = arith.constant 3 : i32
        %add3A_207 = arith.addi %add3A_125, %add3A_206 : i32
        %eq3A_208 = vector.broadcast %add3A_207 : i32 to vector<16xi32>
        %eq3A_209 = arith.cmpi eq, %get3A_137, %eq3A_208 : vector<16xi32>
        %add3A_210 = arith.constant 96 : i32
        %add3A_211 = arith.addi %add3A_210, %scan3A_134 : i32
        %get3A_212 = arith.index_cast %rem3A_90 : i32 to index
        %get3A_213 = arith.index_cast %add3A_211 : i32 to index
        %get3A_214 = arith.constant 0 : index
        %get3A_215 = tpu.vector_load %arg8[%get3A_212, %get3A_213, %get3A_214] {strides = array<i32>} : memref<2x128x128xf32, #tpu.memory_space<vmem>>, vector<1x1x16xf32>,
        %get3A_216 = vector.shape_cast %get3A_215 : vector<1x1x16xf32> to vector<16xf32>
        %select_n3A_217 = arith.select %eq3A_209, %get3A_216, %select_n3A_197 : vector<16xi1>, vector<16xf32>
        %add3A_218 = arith.constant 96 : i32
        %add3A_219 = arith.addi %add3A_218, %scan3A_134 : i32
        %get3A_220 = arith.index_cast %rem3A_90 : i32 to index
        %get3A_221 = arith.index_cast %add3A_219 : i32 to index
        %get3A_222 = arith.constant 0 : index
        %get3A_223 = tpu.vector_load %arg9[%get3A_220, %get3A_221, %get3A_222] {strides = array<i32>} : memref<2x128x128xf32, #tpu.memory_space<vmem>>, vector<1x1x16xf32>,
        %get3A_224 = vector.shape_cast %get3A_223 : vector<1x1x16xf32> to vector<16xf32>
        %select_n3A_225 = arith.select %eq3A_209, %get3A_224, %select_n3A_205 : vector<16xi1>, vector<16xf32>
        %swap3A = arith.index_cast %scan3A_134 : i32 to index
        %swap3A_226 = arith.constant 0 : index
        %swap3A_227 = tpu.vector_load %arg11[%swap3A, %swap3A_226] {strides = array<i32>} : memref<32x128xf32, #tpu.memory_space<vmem>>, vector<1x16xf32>,
        %swap3A_228 = vector.shape_cast %swap3A_227 : vector<1x16xf32> to vector<16xf32>
        %swap3A_229 = vector.shape_cast %select_n3A_217 : vector<16xf32> to vector<1x16xf32>
        tpu.vector_store %arg11[%swap3A, %swap3A_226], %swap3A_229 {strides = array<i32>} : memref<32x128xf32, #tpu.memory_space<vmem>>, vector<1x16xf32>,
        %swap3A_230 = arith.index_cast %scan3A_134 : i32 to index
        %swap3A_231 = arith.constant 0 : index
        %swap3A_232 = tpu.vector_load %arg12[%swap3A_230, %swap3A_231] {strides = array<i32>} : memref<32x128xf32, #tpu.memory_space<vmem>>, vector<1x16xf32>,
        %swap3A_233 = vector.shape_cast %swap3A_232 : vector<1x16xf32> to vector<16xf32>
        %swap3A_234 = vector.shape_cast %select_n3A_225 : vector<16xf32> to vector<1x16xf32>
        tpu.vector_store %arg12[%swap3A_230, %swap3A_231], %swap3A_234 {strides = array<i32>} : memref<32x128xf32, #tpu.memory_space<vmem>>, vector<1x16xf32>,
        %get3A_235 = arith.constant 16 : index
        %get3A_236 = tpu.vector_load %arg7[%get3A_235] {strides = array<i32>} : memref<128xi32, #tpu.memory_space<vmem>>, vector<16xi32>,
        %get3A_237 = vector.shape_cast %get3A_236 : vector<16xi32> to vector<16xi32>
        %get3A_238 = arith.index_cast %scan3A_134 : i32 to index
        %get3A_239 = arith.constant 16 : index
        %get3A_240 = tpu.vector_load %arg11[%get3A_238, %get3A_239] {strides = array<i32>} : memref<32x128xf32, #tpu.memory_space<vmem>>, vector<1x16xf32>,
        %get3A_241 = vector.shape_cast %get3A_240 : vector<1x16xf32> to vector<16xf32>
        %get3A_242 = arith.index_cast %scan3A_134 : i32 to index
        %get3A_243 = arith.constant 16 : index
        %get3A_244 = tpu.vector_load %arg12[%get3A_242, %get3A_243] {strides = array<i32>} : memref<32x128xf32, #tpu.memory_space<vmem>>, vector<1x16xf32>,
        %get3A_245 = vector.shape_cast %get3A_244 : vector<1x16xf32> to vector<16xf32>
        %add3A_246 = arith.constant 0 : i32
        %add3A_247 = arith.addi %add3A_125, %add3A_246 : i32
        %eq3A_248 = vector.broadcast %add3A_247 : i32 to vector<16xi32>
        %eq3A_249 = arith.cmpi eq, %get3A_237, %eq3A_248 : vector<16xi32>
        %add3A_250 = arith.constant 0 : i32
        %add3A_251 = arith.addi %add3A_250, %scan3A_134 : i32
        %get3A_252 = arith.index_cast %rem3A_90 : i32 to index
        %get3A_253 = arith.index_cast %add3A_251 : i32 to index
        %get3A_254 = arith.constant 16 : index
        %get3A_255 = tpu.vector_load %arg8[%get3A_252, %get3A_253, %get3A_254] {strides = array<i32>} : memref<2x128x128xf32, #tpu.memory_space<vmem>>, vector<1x1x16xf32>,
        %get3A_256 = vector.shape_cast %get3A_255 : vector<1x1x16xf32> to vector<16xf32>
        %select_n3A_257 = arith.select %eq3A_249, %get3A_256, %get3A_241 : vector<16xi1>, vector<16xf32>
        %add3A_258 = arith.constant 0 : i32
        %add3A_259 = arith.addi %add3A_258, %scan3A_134 : i32
        %get3A_260 = arith.index_cast %rem3A_90 : i32 to index
        %get3A_261 = arith.index_cast %add3A_259 : i32 to index
        %get3A_262 = arith.constant 16 : index
        %get3A_263 = tpu.vector_load %arg9[%get3A_260, %get3A_261, %get3A_262] {strides = array<i32>} : memref<2x128x128xf32, #tpu.memory_space<vmem>>, vector<1x1x16xf32>,
        %get3A_264 = vector.shape_cast %get3A_263 : vector<1x1x16xf32> to vector<16xf32>
        %select_n3A_265 = arith.select %eq3A_249, %get3A_264, %get3A_245 : vector<16xi1>, vector<16xf32>
        %add3A_266 = arith.constant 1 : i32
        %add3A_267 = arith.addi %add3A_125, %add3A_266 : i32
        %eq3A_268 = vector.broadcast %add3A_267 : i32 to vector<16xi32>
        %eq3A_269 = arith.cmpi eq, %get3A_237, %eq3A_268 : vector<16xi32>
        %add3A_270 = arith.constant 32 : i32
        %add3A_271 = arith.addi %add3A_270, %scan3A_134 : i32
        %get3A_272 = arith.index_cast %rem3A_90 : i32 to index
        %get3A_273 = arith.index_cast %add3A_271 : i32 to index
        %get3A_274 = arith.constant 16 : index
        %get3A_275 = tpu.vector_load %arg8[%get3A_272, %get3A_273, %get3A_274] {strides = array<i32>} : memref<2x128x128xf32, #tpu.memory_space<vmem>>, vector<1x1x16xf32>,
        %get3A_276 = vector.shape_cast %get3A_275 : vector<1x1x16xf32> to vector<16xf32>
        %select_n3A_277 = arith.select %eq3A_269, %get3A_276, %select_n3A_257 : vector<16xi1>, vector<16xf32>
        %add3A_278 = arith.constant 32 : i32
        %add3A_279 = arith.addi %add3A_278, %scan3A_134 : i32
        %get3A_280 = arith.index_cast %rem3A_90 : i32 to index
        %get3A_281 = arith.index_cast %add3A_279 : i32 to index
        %get3A_282 = arith.constant 16 : index
        %get3A_283 = tpu.vector_load %arg9[%get3A_280, %get3A_281, %get3A_282] {strides = array<i32>} : memref<2x128x128xf32, #tpu.memory_space<vmem>>, vector<1x1x16xf32>,
        %get3A_284 = vector.shape_cast %get3A_283 : vector<1x1x16xf32> to vector<16xf32>
        %select_n3A_285 = arith.select %eq3A_269, %get3A_284, %select_n3A_265 : vector<16xi1>, vector<16xf32>
        %add3A_286 = arith.constant 2 : i32
        %add3A_287 = arith.addi %add3A_125, %add3A_286 : i32
        %eq3A_288 = vector.broadcast %add3A_287 : i32 to vector<16xi32>
        %eq3A_289 = arith.cmpi eq, %get3A_237, %eq3A_288 : vector<16xi32>
        %add3A_290 = arith.constant 64 : i32
        %add3A_291 = arith.addi %add3A_290, %scan3A_134 : i32
        %get3A_292 = arith.index_cast %rem3A_90 : i32 to index
        %get3A_293 = arith.index_cast %add3A_291 : i32 to index
        %get3A_294 = arith.constant 16 : index
        %get3A_295 = tpu.vector_load %arg8[%get3A_292, %get3A_293, %get3A_294] {strides = array<i32>} : memref<2x128x128xf32, #tpu.memory_space<vmem>>, vector<1x1x16xf32>,
        %get3A_296 = vector.shape_cast %get3A_295 : vector<1x1x16xf32> to vector<16xf32>
        %select_n3A_297 = arith.select %eq3A_289, %get3A_296, %select_n3A_277 : vector<16xi1>, vector<16xf32>
        %add3A_298 = arith.constant 64 : i32
        %add3A_299 = arith.addi %add3A_298, %scan3A_134 : i32
        %get3A_300 = arith.index_cast %rem3A_90 : i32 to index
        %get3A_301 = arith.index_cast %add3A_299 : i32 to index
        %get3A_302 = arith.constant 16 : index
        %get3A_303 = tpu.vector_load %arg9[%get3A_300, %get3A_301, %get3A_302] {strides = array<i32>} : memref<2x128x128xf32, #tpu.memory_space<vmem>>, vector<1x1x16xf32>,
        %get3A_304 = vector.shape_cast %get3A_303 : vector<1x1x16xf32> to vector<16xf32>
        %select_n3A_305 = arith.select %eq3A_289, %get3A_304, %select_n3A_285 : vector<16xi1>, vector<16xf32>
        %add3A_306 = arith.constant 3 : i32
        %add3A_307 = arith.addi %add3A_125, %add3A_306 : i32
        %eq3A_308 = vector.broadcast %add3A_307 : i32 to vector<16xi32>
        %eq3A_309 = arith.cmpi eq, %get3A_237, %eq3A_308 : vector<16xi32>
        %add3A_310 = arith.constant 96 : i32
        %add3A_311 = arith.addi %add3A_310, %scan3A_134 : i32
        %get3A_312 = arith.index_cast %rem3A_90 : i32 to index
        %get3A_313 = arith.index_cast %add3A_311 : i32 to index
        %get3A_314 = arith.constant 16 : index
        %get3A_315 = tpu.vector_load %arg8[%get3A_312, %get3A_313, %get3A_314] {strides = array<i32>} : memref<2x128x128xf32, #tpu.memory_space<vmem>>, vector<1x1x16xf32>,
        %get3A_316 = vector.shape_cast %get3A_315 : vector<1x1x16xf32> to vector<16xf32>
        %select_n3A_317 = arith.select %eq3A_309, %get3A_316, %select_n3A_297 : vector<16xi1>, vector<16xf32>
        %add3A_318 = arith.constant 96 : i32
        %add3A_319 = arith.addi %add3A_318, %scan3A_134 : i32
        %get3A_320 = arith.index_cast %rem3A_90 : i32 to index
        %get3A_321 = arith.index_cast %add3A_319 : i32 to index
        %get3A_322 = arith.constant 16 : index
        %get3A_323 = tpu.vector_load %arg9[%get3A_320, %get3A_321, %get3A_322] {strides = array<i32>} : memref<2x128x128xf32, #tpu.memory_space<vmem>>, vector<1x1x16xf32>,
        %get3A_324 = vector.shape_cast %get3A_323 : vector<1x1x16xf32> to vector<16xf32>
        %select_n3A_325 = arith.select %eq3A_309, %get3A_324, %select_n3A_305 : vector<16xi1>, vector<16xf32>
        %swap3A_326 = arith.index_cast %scan3A_134 : i32 to index
        %swap3A_327 = arith.constant 16 : index
        %swap3A_328 = tpu.vector_load %arg11[%swap3A_326, %swap3A_327] {strides = array<i32>} : memref<32x128xf32, #tpu.memory_space<vmem>>, vector<1x16xf32>,
        %swap3A_329 = vector.shape_cast %swap3A_328 : vector<1x16xf32> to vector<16xf32>
        %swap3A_330 = vector.shape_cast %select_n3A_317 : vector<16xf32> to vector<1x16xf32>
        tpu.vector_store %arg11[%swap3A_326, %swap3A_327], %swap3A_330 {strides = array<i32>} : memref<32x128xf32, #tpu.memory_space<vmem>>, vector<1x16xf32>,
        %swap3A_331 = arith.index_cast %scan3A_134 : i32 to index
        %swap3A_332 = arith.constant 16 : index
        %swap3A_333 = tpu.vector_load %arg12[%swap3A_331, %swap3A_332] {strides = array<i32>} : memref<32x128xf32, #tpu.memory_space<vmem>>, vector<1x16xf32>,
        %swap3A_334 = vector.shape_cast %swap3A_333 : vector<1x16xf32> to vector<16xf32>
        %swap3A_335 = vector.shape_cast %select_n3A_325 : vector<16xf32> to vector<1x16xf32>
        tpu.vector_store %arg12[%swap3A_331, %swap3A_332], %swap3A_335 {strides = array<i32>} : memref<32x128xf32, #tpu.memory_space<vmem>>, vector<1x16xf32>,
        %get3A_336 = arith.constant 32 : index
        %get3A_337 = tpu.vector_load %arg7[%get3A_336] {strides = array<i32>} : memref<128xi32, #tpu.memory_space<vmem>>, vector<16xi32>,
        %get3A_338 = vector.shape_cast %get3A_337 : vector<16xi32> to vector<16xi32>
        %get3A_339 = arith.index_cast %scan3A_134 : i32 to index
        %get3A_340 = arith.constant 32 : index
        %get3A_341 = tpu.vector_load %arg11[%get3A_339, %get3A_340] {strides = array<i32>} : memref<32x128xf32, #tpu.memory_space<vmem>>, vector<1x16xf32>,
        %get3A_342 = vector.shape_cast %get3A_341 : vector<1x16xf32> to vector<16xf32>
        %get3A_343 = arith.index_cast %scan3A_134 : i32 to index
        %get3A_344 = arith.constant 32 : index
        %get3A_345 = tpu.vector_load %arg12[%get3A_343, %get3A_344] {strides = array<i32>} : memref<32x128xf32, #tpu.memory_space<vmem>>, vector<1x16xf32>,
        %get3A_346 = vector.shape_cast %get3A_345 : vector<1x16xf32> to vector<16xf32>
        %add3A_347 = arith.constant 0 : i32
        %add3A_348 = arith.addi %add3A_125, %add3A_347 : i32
        %eq3A_349 = vector.broadcast %add3A_348 : i32 to vector<16xi32>
        %eq3A_350 = arith.cmpi eq, %get3A_338, %eq3A_349 : vector<16xi32>
        %add3A_351 = arith.constant 0 : i32
        %add3A_352 = arith.addi %add3A_351, %scan3A_134 : i32
        %get3A_353 = arith.index_cast %rem3A_90 : i32 to index
        %get3A_354 = arith.index_cast %add3A_352 : i32 to index
        %get3A_355 = arith.constant 32 : index
        %get3A_356 = tpu.vector_load %arg8[%get3A_353, %get3A_354, %get3A_355] {strides = array<i32>} : memref<2x128x128xf32, #tpu.memory_space<vmem>>, vector<1x1x16xf32>,
        %get3A_357 = vector.shape_cast %get3A_356 : vector<1x1x16xf32> to vector<16xf32>
        %select_n3A_358 = arith.select %eq3A_350, %get3A_357, %get3A_342 : vector<16xi1>, vector<16xf32>
        %add3A_359 = arith.constant 0 : i32
        %add3A_360 = arith.addi %add3A_359, %scan3A_134 : i32
        %get3A_361 = arith.index_cast %rem3A_90 : i32 to index
        %get3A_362 = arith.index_cast %add3A_360 : i32 to index
        %get3A_363 = arith.constant 32 : index
        %get3A_364 = tpu.vector_load %arg9[%get3A_361, %get3A_362, %get3A_363] {strides = array<i32>} : memref<2x128x128xf32, #tpu.memory_space<vmem>>, vector<1x1x16xf32>,
        %get3A_365 = vector.shape_cast %get3A_364 : vector<1x1x16xf32> to vector<16xf32>
        %select_n3A_366 = arith.select %eq3A_350, %get3A_365, %get3A_346 : vector<16xi1>, vector<16xf32>
        %add3A_367 = arith.constant 1 : i32
        %add3A_368 = arith.addi %add3A_125, %add3A_367 : i32
        %eq3A_369 = vector.broadcast %add3A_368 : i32 to vector<16xi32>
        %eq3A_370 = arith.cmpi eq, %get3A_338, %eq3A_369 : vector<16xi32>
        %add3A_371 = arith.constant 32 : i32
        %add3A_372 = arith.addi %add3A_371, %scan3A_134 : i32
        %get3A_373 = arith.index_cast %rem3A_90 : i32 to index
        %get3A_374 = arith.index_cast %add3A_372 : i32 to index
        %get3A_375 = arith.constant 32 : index
        %get3A_376 = tpu.vector_load %arg8[%get3A_373, %get3A_374, %get3A_375] {strides = array<i32>} : memref<2x128x128xf32, #tpu.memory_space<vmem>>, vector<1x1x16xf32>,
        %get3A_377 = vector.shape_cast %get3A_376 : vector<1x1x16xf32> to vector<16xf32>
        %select_n3A_378 = arith.select %eq3A_370, %get3A_377, %select_n3A_358 : vector<16xi1>, vector<16xf32>
        %add3A_379 = arith.constant 32 : i32
        %add3A_380 = arith.addi %add3A_379, %scan3A_134 : i32
        %get3A_381 = arith.index_cast %rem3A_90 : i32 to index
        %get3A_382 = arith.index_cast %add3A_380 : i32 to index
        %get3A_383 = arith.constant 32 : index
        %get3A_384 = tpu.vector_load %arg9[%get3A_381, %get3A_382, %get3A_383] {strides = array<i32>} : memref<2x128x128xf32, #tpu.memory_space<vmem>>, vector<1x1x16xf32>,
        %get3A_385 = vector.shape_cast %get3A_384 : vector<1x1x16xf32> to vector<16xf32>
        %select_n3A_386 = arith.select %eq3A_370, %get3A_385, %select_n3A_366 : vector<16xi1>, vector<16xf32>
        %add3A_387 = arith.constant 2 : i32
        %add3A_388 = arith.addi %add3A_125, %add3A_387 : i32
        %eq3A_389 = vector.broadcast %add3A_388 : i32 to vector<16xi32>
        %eq3A_390 = arith.cmpi eq, %get3A_338, %eq3A_389 : vector<16xi32>
        %add3A_391 = arith.constant 64 : i32
        %add3A_392 = arith.addi %add3A_391, %scan3A_134 : i32
        %get3A_393 = arith.index_cast %rem3A_90 : i32 to index
        %get3A_394 = arith.index_cast %add3A_392 : i32 to index
        %get3A_395 = arith.constant 32 : index
        %get3A_396 = tpu.vector_load %arg8[%get3A_393, %get3A_394, %get3A_395] {strides = array<i32>} : memref<2x128x128xf32, #tpu.memory_space<vmem>>, vector<1x1x16xf32>,
        %get3A_397 = vector.shape_cast %get3A_396 : vector<1x1x16xf32> to vector<16xf32>
        %select_n3A_398 = arith.select %eq3A_390, %get3A_397, %select_n3A_378 : vector<16xi1>, vector<16xf32>
        %add3A_399 = arith.constant 64 : i32
        %add3A_400 = arith.addi %add3A_399, %scan3A_134 : i32
        %get3A_401 = arith.index_cast %rem3A_90 : i32 to index
        %get3A_402 = arith.index_cast %add3A_400 : i32 to index
        %get3A_403 = arith.constant 32 : index
        %get3A_404 = tpu.vector_load %arg9[%get3A_401, %get3A_402, %get3A_403] {strides = array<i32>} : memref<2x128x128xf32, #tpu.memory_space<vmem>>, vector<1x1x16xf32>,
        %get3A_405 = vector.shape_cast %get3A_404 : vector<1x1x16xf32> to vector<16xf32>
        %select_n3A_406 = arith.select %eq3A_390, %get3A_405, %select_n3A_386 : vector<16xi1>, vector<16xf32>
        %add3A_407 = arith.constant 3 : i32
        %add3A_408 = arith.addi %add3A_125, %add3A_407 : i32
        %eq3A_409 = vector.broadcast %add3A_408 : i32 to vector<16xi32>
        %eq3A_410 = arith.cmpi eq, %get3A_338, %eq3A_409 : vector<16xi32>
        %add3A_411 = arith.constant 96 : i32
        %add3A_412 = arith.addi %add3A_411, %scan3A_134 : i32
        %get3A_413 = arith.index_cast %rem3A_90 : i32 to index
        %get3A_414 = arith.index_cast %add3A_412 : i32 to index
        %get3A_415 = arith.constant 32 : index
        %get3A_416 = tpu.vector_load %arg8[%get3A_413, %get3A_414, %get3A_415] {strides = array<i32>} : memref<2x128x128xf32, #tpu.memory_space<vmem>>, vector<1x1x16xf32>,
        %get3A_417 = vector.shape_cast %get3A_416 : vector<1x1x16xf32> to vector<16xf32>
        %select_n3A_418 = arith.select %eq3A_410, %get3A_417, %select_n3A_398 : vector<16xi1>, vector<16xf32>
        %add3A_419 = arith.constant 96 : i32
        %add3A_420 = arith.addi %add3A_419, %scan3A_134 : i32
        %get3A_421 = arith.index_cast %rem3A_90 : i32 to index
        %get3A_422 = arith.index_cast %add3A_420 : i32 to index
        %get3A_423 = arith.constant 32 : index
        %get3A_424 = tpu.vector_load %arg9[%get3A_421, %get3A_422, %get3A_423] {strides = array<i32>} : memref<2x128x128xf32, #tpu.memory_space<vmem>>, vector<1x1x16xf32>,
        %get3A_425 = vector.shape_cast %get3A_424 : vector<1x1x16xf32> to vector<16xf32>
        %select_n3A_426 = arith.select %eq3A_410, %get3A_425, %select_n3A_406 : vector<16xi1>, vector<16xf32>
        %swap3A_427 = arith.index_cast %scan3A_134 : i32 to index
        %swap3A_428 = arith.constant 32 : index
        %swap3A_429 = tpu.vector_load %arg11[%swap3A_427, %swap3A_428] {strides = array<i32>} : memref<32x128xf32, #tpu.memory_space<vmem>>, vector<1x16xf32>,
        %swap3A_430 = vector.shape_cast %swap3A_429 : vector<1x16xf32> to vector<16xf32>
        %swap3A_431 = vector.shape_cast %select_n3A_418 : vector<16xf32> to vector<1x16xf32>
        tpu.vector_store %arg11[%swap3A_427, %swap3A_428], %swap3A_431 {strides = array<i32>} : memref<32x128xf32, #tpu.memory_space<vmem>>, vector<1x16xf32>,
        %swap3A_432 = arith.index_cast %scan3A_134 : i32 to index
        %swap3A_433 = arith.constant 32 : index
        %swap3A_434 = tpu.vector_load %arg12[%swap3A_432, %swap3A_433] {strides = array<i32>} : memref<32x128xf32, #tpu.memory_space<vmem>>, vector<1x16xf32>,
        %swap3A_435 = vector.shape_cast %swap3A_434 : vector<1x16xf32> to vector<16xf32>
        %swap3A_436 = vector.shape_cast %select_n3A_426 : vector<16xf32> to vector<1x16xf32>
        tpu.vector_store %arg12[%swap3A_432, %swap3A_433], %swap3A_436 {strides = array<i32>} : memref<32x128xf32, #tpu.memory_space<vmem>>, vector<1x16xf32>,
        %get3A_437 = arith.constant 48 : index
        %get3A_438 = tpu.vector_load %arg7[%get3A_437] {strides = array<i32>} : memref<128xi32, #tpu.memory_space<vmem>>, vector<16xi32>,
        %get3A_439 = vector.shape_cast %get3A_438 : vector<16xi32> to vector<16xi32>
        %get3A_440 = arith.index_cast %scan3A_134 : i32 to index
        %get3A_441 = arith.constant 48 : index
        %get3A_442 = tpu.vector_load %arg11[%get3A_440, %get3A_441] {strides = array<i32>} : memref<32x128xf32, #tpu.memory_space<vmem>>, vector<1x16xf32>,
        %get3A_443 = vector.shape_cast %get3A_442 : vector<1x16xf32> to vector<16xf32>
        %get3A_444 = arith.index_cast %scan3A_134 : i32 to index
        %get3A_445 = arith.constant 48 : index
        %get3A_446 = tpu.vector_load %arg12[%get3A_444, %get3A_445] {strides = array<i32>} : memref<32x128xf32, #tpu.memory_space<vmem>>, vector<1x16xf32>,
        %get3A_447 = vector.shape_cast %get3A_446 : vector<1x16xf32> to vector<16xf32>
        %add3A_448 = arith.constant 0 : i32
        %add3A_449 = arith.addi %add3A_125, %add3A_448 : i32
        %eq3A_450 = vector.broadcast %add3A_449 : i32 to vector<16xi32>
        %eq3A_451 = arith.cmpi eq, %get3A_439, %eq3A_450 : vector<16xi32>
        %add3A_452 = arith.constant 0 : i32
        %add3A_453 = arith.addi %add3A_452, %scan3A_134 : i32
        %get3A_454 = arith.index_cast %rem3A_90 : i32 to index
        %get3A_455 = arith.index_cast %add3A_453 : i32 to index
        %get3A_456 = arith.constant 48 : index
        %get3A_457 = tpu.vector_load %arg8[%get3A_454, %get3A_455, %get3A_456] {strides = array<i32>} : memref<2x128x128xf32, #tpu.memory_space<vmem>>, vector<1x1x16xf32>,
        %get3A_458 = vector.shape_cast %get3A_457 : vector<1x1x16xf32> to vector<16xf32>
        %select_n3A_459 = arith.select %eq3A_451, %get3A_458, %get3A_443 : vector<16xi1>, vector<16xf32>
        %add3A_460 = arith.constant 0 : i32
        %add3A_461 = arith.addi %add3A_460, %scan3A_134 : i32
        %get3A_462 = arith.index_cast %rem3A_90 : i32 to index
        %get3A_463 = arith.index_cast %add3A_461 : i32 to index
        %get3A_464 = arith.constant 48 : index
        %get3A_465 = tpu.vector_load %arg9[%get3A_462, %get3A_463, %get3A_464] {strides = array<i32>} : memref<2x128x128xf32, #tpu.memory_space<vmem>>, vector<1x1x16xf32>,
        %get3A_466 = vector.shape_cast %get3A_465 : vector<1x1x16xf32> to vector<16xf32>
        %select_n3A_467 = arith.select %eq3A_451, %get3A_466, %get3A_447 : vector<16xi1>, vector<16xf32>
        %add3A_468 = arith.constant 1 : i32
        %add3A_469 = arith.addi %add3A_125, %add3A_468 : i32
        %eq3A_470 = vector.broadcast %add3A_469 : i32 to vector<16xi32>
        %eq3A_471 = arith.cmpi eq, %get3A_439, %eq3A_470 : vector<16xi32>
        %add3A_472 = arith.constant 32 : i32
        %add3A_473 = arith.addi %add3A_472, %scan3A_134 : i32
        %get3A_474 = arith.index_cast %rem3A_90 : i32 to index
        %get3A_475 = arith.index_cast %add3A_473 : i32 to index
        %get3A_476 = arith.constant 48 : index
        %get3A_477 = tpu.vector_load %arg8[%get3A_474, %get3A_475, %get3A_476] {strides = array<i32>} : memref<2x128x128xf32, #tpu.memory_space<vmem>>, vector<1x1x16xf32>,
        %get3A_478 = vector.shape_cast %get3A_477 : vector<1x1x16xf32> to vector<16xf32>
        %select_n3A_479 = arith.select %eq3A_471, %get3A_478, %select_n3A_459 : vector<16xi1>, vector<16xf32>
        %add3A_480 = arith.constant 32 : i32
        %add3A_481 = arith.addi %add3A_480, %scan3A_134 : i32
        %get3A_482 = arith.index_cast %rem3A_90 : i32 to index
        %get3A_483 = arith.index_cast %add3A_481 : i32 to index
        %get3A_484 = arith.constant 48 : index
        %get3A_485 = tpu.vector_load %arg9[%get3A_482, %get3A_483, %get3A_484] {strides = array<i32>} : memref<2x128x128xf32, #tpu.memory_space<vmem>>, vector<1x1x16xf32>,
        %get3A_486 = vector.shape_cast %get3A_485 : vector<1x1x16xf32> to vector<16xf32>
        %select_n3A_487 = arith.select %eq3A_471, %get3A_486, %select_n3A_467 : vector<16xi1>, vector<16xf32>
        %add3A_488 = arith.constant 2 : i32
        %add3A_489 = arith.addi %add3A_125, %add3A_488 : i32
        %eq3A_490 = vector.broadcast %add3A_489 : i32 to vector<16xi32>
        %eq3A_491 = arith.cmpi eq, %get3A_439, %eq3A_490 : vector<16xi32>
        %add3A_492 = arith.constant 64 : i32
        %add3A_493 = arith.addi %add3A_492, %scan3A_134 : i32
        %get3A_494 = arith.index_cast %rem3A_90 : i32 to index
        %get3A_495 = arith.index_cast %add3A_493 : i32 to index
        %get3A_496 = arith.constant 48 : index
        %get3A_497 = tpu.vector_load %arg8[%get3A_494, %get3A_495, %get3A_496] {strides = array<i32>} : memref<2x128x128xf32, #tpu.memory_space<vmem>>, vector<1x1x16xf32>,
        %get3A_498 = vector.shape_cast %get3A_497 : vector<1x1x16xf32> to vector<16xf32>
        %select_n3A_499 = arith.select %eq3A_491, %get3A_498, %select_n3A_479 : vector<16xi1>, vector<16xf32>
        %add3A_500 = arith.constant 64 : i32
        %add3A_501 = arith.addi %add3A_500, %scan3A_134 : i32
        %get3A_502 = arith.index_cast %rem3A_90 : i32 to index
        %get3A_503 = arith.index_cast %add3A_501 : i32 to index
        %get3A_504 = arith.constant 48 : index
        %get3A_505 = tpu.vector_load %arg9[%get3A_502, %get3A_503, %get3A_504] {strides = array<i32>} : memref<2x128x128xf32, #tpu.memory_space<vmem>>, vector<1x1x16xf32>,
        %get3A_506 = vector.shape_cast %get3A_505 : vector<1x1x16xf32> to vector<16xf32>
        %select_n3A_507 = arith.select %eq3A_491, %get3A_506, %select_n3A_487 : vector<16xi1>, vector<16xf32>
        %add3A_508 = arith.constant 3 : i32
        %add3A_509 = arith.addi %add3A_125, %add3A_508 : i32
        %eq3A_510 = vector.broadcast %add3A_509 : i32 to vector<16xi32>
        %eq3A_511 = arith.cmpi eq, %get3A_439, %eq3A_510 : vector<16xi32>
        %add3A_512 = arith.constant 96 : i32
        %add3A_513 = arith.addi %add3A_512, %scan3A_134 : i32
        %get3A_514 = arith.index_cast %rem3A_90 : i32 to index
        %get3A_515 = arith.index_cast %add3A_513 : i32 to index
        %get3A_516 = arith.constant 48 : index
        %get3A_517 = tpu.vector_load %arg8[%get3A_514, %get3A_515, %get3A_516] {strides = array<i32>} : memref<2x128x128xf32, #tpu.memory_space<vmem>>, vector<1x1x16xf32>,
        %get3A_518 = vector.shape_cast %get3A_517 : vector<1x1x16xf32> to vector<16xf32>
        %select_n3A_519 = arith.select %eq3A_511, %get3A_518, %select_n3A_499 : vector<16xi1>, vector<16xf32>
        %add3A_520 = arith.constant 96 : i32
        %add3A_521 = arith.addi %add3A_520, %scan3A_134 : i32
        %get3A_522 = arith.index_cast %rem3A_90 : i32 to index
        %get3A_523 = arith.index_cast %add3A_521 : i32 to index
        %get3A_524 = arith.constant 48 : index
        %get3A_525 = tpu.vector_load %arg9[%get3A_522, %get3A_523, %get3A_524] {strides = array<i32>} : memref<2x128x128xf32, #tpu.memory_space<vmem>>, vector<1x1x16xf32>,
        %get3A_526 = vector.shape_cast %get3A_525 : vector<1x1x16xf32> to vector<16xf32>
        %select_n3A_527 = arith.select %eq3A_511, %get3A_526, %select_n3A_507 : vector<16xi1>, vector<16xf32>
        %swap3A_528 = arith.index_cast %scan3A_134 : i32 to index
        %swap3A_529 = arith.constant 48 : index
        %swap3A_530 = tpu.vector_load %arg11[%swap3A_528, %swap3A_529] {strides = array<i32>} : memref<32x128xf32, #tpu.memory_space<vmem>>, vector<1x16xf32>,
        %swap3A_531 = vector.shape_cast %swap3A_530 : vector<1x16xf32> to vector<16xf32>
        %swap3A_532 = vector.shape_cast %select_n3A_519 : vector<16xf32> to vector<1x16xf32>
        tpu.vector_store %arg11[%swap3A_528, %swap3A_529], %swap3A_532 {strides = array<i32>} : memref<32x128xf32, #tpu.memory_space<vmem>>, vector<1x16xf32>,
        %swap3A_533 = arith.index_cast %scan3A_134 : i32 to index
        %swap3A_534 = arith.constant 48 : index
        %swap3A_535 = tpu.vector_load %arg12[%swap3A_533, %swap3A_534] {strides = array<i32>} : memref<32x128xf32, #tpu.memory_space<vmem>>, vector<1x16xf32>,
        %swap3A_536 = vector.shape_cast %swap3A_535 : vector<1x16xf32> to vector<16xf32>
        %swap3A_537 = vector.shape_cast %select_n3A_527 : vector<16xf32> to vector<1x16xf32>
        tpu.vector_store %arg12[%swap3A_533, %swap3A_534], %swap3A_537 {strides = array<i32>} : memref<32x128xf32, #tpu.memory_space<vmem>>, vector<1x16xf32>,
        %get3A_538 = arith.constant 64 : index
        %get3A_539 = tpu.vector_load %arg7[%get3A_538] {strides = array<i32>} : memref<128xi32, #tpu.memory_space<vmem>>, vector<16xi32>,
        %get3A_540 = vector.shape_cast %get3A_539 : vector<16xi32> to vector<16xi32>
        %get3A_541 = arith.index_cast %scan3A_134 : i32 to index
        %get3A_542 = arith.constant 64 : index
        %get3A_543 = tpu.vector_load %arg11[%get3A_541, %get3A_542] {strides = array<i32>} : memref<32x128xf32, #tpu.memory_space<vmem>>, vector<1x16xf32>,
        %get3A_544 = vector.shape_cast %get3A_543 : vector<1x16xf32> to vector<16xf32>
        %get3A_545 = arith.index_cast %scan3A_134 : i32 to index
        %get3A_546 = arith.constant 64 : index
        %get3A_547 = tpu.vector_load %arg12[%get3A_545, %get3A_546] {strides = array<i32>} : memref<32x128xf32, #tpu.memory_space<vmem>>, vector<1x16xf32>,
        %get3A_548 = vector.shape_cast %get3A_547 : vector<1x16xf32> to vector<16xf32>
        %add3A_549 = arith.constant 0 : i32
        %add3A_550 = arith.addi %add3A_125, %add3A_549 : i32
        %eq3A_551 = vector.broadcast %add3A_550 : i32 to vector<16xi32>
        %eq3A_552 = arith.cmpi eq, %get3A_540, %eq3A_551 : vector<16xi32>
        %add3A_553 = arith.constant 0 : i32
        %add3A_554 = arith.addi %add3A_553, %scan3A_134 : i32
        %get3A_555 = arith.index_cast %rem3A_90 : i32 to index
        %get3A_556 = arith.index_cast %add3A_554 : i32 to index
        %get3A_557 = arith.constant 64 : index
        %get3A_558 = tpu.vector_load %arg8[%get3A_555, %get3A_556, %get3A_557] {strides = array<i32>} : memref<2x128x128xf32, #tpu.memory_space<vmem>>, vector<1x1x16xf32>,
        %get3A_559 = vector.shape_cast %get3A_558 : vector<1x1x16xf32> to vector<16xf32>
        %select_n3A_560 = arith.select %eq3A_552, %get3A_559, %get3A_544 : vector<16xi1>, vector<16xf32>
        %add3A_561 = arith.constant 0 : i32
        %add3A_562 = arith.addi %add3A_561, %scan3A_134 : i32
        %get3A_563 = arith.index_cast %rem3A_90 : i32 to index
        %get3A_564 = arith.index_cast %add3A_562 : i32 to index
        %get3A_565 = arith.constant 64 : index
        %get3A_566 = tpu.vector_load %arg9[%get3A_563, %get3A_564, %get3A_565] {strides = array<i32>} : memref<2x128x128xf32, #tpu.memory_space<vmem>>, vector<1x1x16xf32>,
        %get3A_567 = vector.shape_cast %get3A_566 : vector<1x1x16xf32> to vector<16xf32>
        %select_n3A_568 = arith.select %eq3A_552, %get3A_567, %get3A_548 : vector<16xi1>, vector<16xf32>
        %add3A_569 = arith.constant 1 : i32
        %add3A_570 = arith.addi %add3A_125, %add3A_569 : i32
        %eq3A_571 = vector.broadcast %add3A_570 : i32 to vector<16xi32>
        %eq3A_572 = arith.cmpi eq, %get3A_540, %eq3A_571 : vector<16xi32>
        %add3A_573 = arith.constant 32 : i32
        %add3A_574 = arith.addi %add3A_573, %scan3A_134 : i32
        %get3A_575 = arith.index_cast %rem3A_90 : i32 to index
        %get3A_576 = arith.index_cast %add3A_574 : i32 to index
        %get3A_577 = arith.constant 64 : index
        %get3A_578 = tpu.vector_load %arg8[%get3A_575, %get3A_576, %get3A_577] {strides = array<i32>} : memref<2x128x128xf32, #tpu.memory_space<vmem>>, vector<1x1x16xf32>,
        %get3A_579 = vector.shape_cast %get3A_578 : vector<1x1x16xf32> to vector<16xf32>
        %select_n3A_580 = arith.select %eq3A_572, %get3A_579, %select_n3A_560 : vector<16xi1>, vector<16xf32>
        %add3A_581 = arith.constant 32 : i32
        %add3A_582 = arith.addi %add3A_581, %scan3A_134 : i32
        %get3A_583 = arith.index_cast %rem3A_90 : i32 to index
        %get3A_584 = arith.index_cast %add3A_582 : i32 to index
        %get3A_585 = arith.constant 64 : index
        %get3A_586 = tpu.vector_load %arg9[%get3A_583, %get3A_584, %get3A_585] {strides = array<i32>} : memref<2x128x128xf32, #tpu.memory_space<vmem>>, vector<1x1x16xf32>,
        %get3A_587 = vector.shape_cast %get3A_586 : vector<1x1x16xf32> to vector<16xf32>
        %select_n3A_588 = arith.select %eq3A_572, %get3A_587, %select_n3A_568 : vector<16xi1>, vector<16xf32>
        %add3A_589 = arith.constant 2 : i32
        %add3A_590 = arith.addi %add3A_125, %add3A_589 : i32
        %eq3A_591 = vector.broadcast %add3A_590 : i32 to vector<16xi32>
        %eq3A_592 = arith.cmpi eq, %get3A_540, %eq3A_591 : vector<16xi32>
        %add3A_593 = arith.constant 64 : i32
        %add3A_594 = arith.addi %add3A_593, %scan3A_134 : i32
        %get3A_595 = arith.index_cast %rem3A_90 : i32 to index
        %get3A_596 = arith.index_cast %add3A_594 : i32 to index
        %get3A_597 = arith.constant 64 : index
        %get3A_598 = tpu.vector_load %arg8[%get3A_595, %get3A_596, %get3A_597] {strides = array<i32>} : memref<2x128x128xf32, #tpu.memory_space<vmem>>, vector<1x1x16xf32>,
        %get3A_599 = vector.shape_cast %get3A_598 : vector<1x1x16xf32> to vector<16xf32>
        %select_n3A_600 = arith.select %eq3A_592, %get3A_599, %select_n3A_580 : vector<16xi1>, vector<16xf32>
        %add3A_601 = arith.constant 64 : i32
        %add3A_602 = arith.addi %add3A_601, %scan3A_134 : i32
        %get3A_603 = arith.index_cast %rem3A_90 : i32 to index
        %get3A_604 = arith.index_cast %add3A_602 : i32 to index
        %get3A_605 = arith.constant 64 : index
        %get3A_606 = tpu.vector_load %arg9[%get3A_603, %get3A_604, %get3A_605] {strides = array<i32>} : memref<2x128x128xf32, #tpu.memory_space<vmem>>, vector<1x1x16xf32>,
        %get3A_607 = vector.shape_cast %get3A_606 : vector<1x1x16xf32> to vector<16xf32>
        %select_n3A_608 = arith.select %eq3A_592, %get3A_607, %select_n3A_588 : vector<16xi1>, vector<16xf32>
        %add3A_609 = arith.constant 3 : i32
        %add3A_610 = arith.addi %add3A_125, %add3A_609 : i32
        %eq3A_611 = vector.broadcast %add3A_610 : i32 to vector<16xi32>
        %eq3A_612 = arith.cmpi eq, %get3A_540, %eq3A_611 : vector<16xi32>
        %add3A_613 = arith.constant 96 : i32
        %add3A_614 = arith.addi %add3A_613, %scan3A_134 : i32
        %get3A_615 = arith.index_cast %rem3A_90 : i32 to index
        %get3A_616 = arith.index_cast %add3A_614 : i32 to index
        %get3A_617 = arith.constant 64 : index
        %get3A_618 = tpu.vector_load %arg8[%get3A_615, %get3A_616, %get3A_617] {strides = array<i32>} : memref<2x128x128xf32, #tpu.memory_space<vmem>>, vector<1x1x16xf32>,
        %get3A_619 = vector.shape_cast %get3A_618 : vector<1x1x16xf32> to vector<16xf32>
        %select_n3A_620 = arith.select %eq3A_612, %get3A_619, %select_n3A_600 : vector<16xi1>, vector<16xf32>
        %add3A_621 = arith.constant 96 : i32
        %add3A_622 = arith.addi %add3A_621, %scan3A_134 : i32
        %get3A_623 = arith.index_cast %rem3A_90 : i32 to index
        %get3A_624 = arith.index_cast %add3A_622 : i32 to index
        %get3A_625 = arith.constant 64 : index
        %get3A_626 = tpu.vector_load %arg9[%get3A_623, %get3A_624, %get3A_625] {strides = array<i32>} : memref<2x128x128xf32, #tpu.memory_space<vmem>>, vector<1x1x16xf32>,
        %get3A_627 = vector.shape_cast %get3A_626 : vector<1x1x16xf32> to vector<16xf32>
        %select_n3A_628 = arith.select %eq3A_612, %get3A_627, %select_n3A_608 : vector<16xi1>, vector<16xf32>
        %swap3A_629 = arith.index_cast %scan3A_134 : i32 to index
        %swap3A_630 = arith.constant 64 : index
        %swap3A_631 = tpu.vector_load %arg11[%swap3A_629, %swap3A_630] {strides = array<i32>} : memref<32x128xf32, #tpu.memory_space<vmem>>, vector<1x16xf32>,
        %swap3A_632 = vector.shape_cast %swap3A_631 : vector<1x16xf32> to vector<16xf32>
        %swap3A_633 = vector.shape_cast %select_n3A_620 : vector<16xf32> to vector<1x16xf32>
        tpu.vector_store %arg11[%swap3A_629, %swap3A_630], %swap3A_633 {strides = array<i32>} : memref<32x128xf32, #tpu.memory_space<vmem>>, vector<1x16xf32>,
        %swap3A_634 = arith.index_cast %scan3A_134 : i32 to index
        %swap3A_635 = arith.constant 64 : index
        %swap3A_636 = tpu.vector_load %arg12[%swap3A_634, %swap3A_635] {strides = array<i32>} : memref<32x128xf32, #tpu.memory_space<vmem>>, vector<1x16xf32>,
        %swap3A_637 = vector.shape_cast %swap3A_636 : vector<1x16xf32> to vector<16xf32>
        %swap3A_638 = vector.shape_cast %select_n3A_628 : vector<16xf32> to vector<1x16xf32>
        tpu.vector_store %arg12[%swap3A_634, %swap3A_635], %swap3A_638 {strides = array<i32>} : memref<32x128xf32, #tpu.memory_space<vmem>>, vector<1x16xf32>,
        %get3A_639 = arith.constant 80 : index
        %get3A_640 = tpu.vector_load %arg7[%get3A_639] {strides = array<i32>} : memref<128xi32, #tpu.memory_space<vmem>>, vector<16xi32>,
        %get3A_641 = vector.shape_cast %get3A_640 : vector<16xi32> to vector<16xi32>
        %get3A_642 = arith.index_cast %scan3A_134 : i32 to index
        %get3A_643 = arith.constant 80 : index
        %get3A_644 = tpu.vector_load %arg11[%get3A_642, %get3A_643] {strides = array<i32>} : memref<32x128xf32, #tpu.memory_space<vmem>>, vector<1x16xf32>,
        %get3A_645 = vector.shape_cast %get3A_644 : vector<1x16xf32> to vector<16xf32>
        %get3A_646 = arith.index_cast %scan3A_134 : i32 to index
        %get3A_647 = arith.constant 80 : index
        %get3A_648 = tpu.vector_load %arg12[%get3A_646, %get3A_647] {strides = array<i32>} : memref<32x128xf32, #tpu.memory_space<vmem>>, vector<1x16xf32>,
        %get3A_649 = vector.shape_cast %get3A_648 : vector<1x16xf32> to vector<16xf32>
        %add3A_650 = arith.constant 0 : i32
        %add3A_651 = arith.addi %add3A_125, %add3A_650 : i32
        %eq3A_652 = vector.broadcast %add3A_651 : i32 to vector<16xi32>
        %eq3A_653 = arith.cmpi eq, %get3A_641, %eq3A_652 : vector<16xi32>
        %add3A_654 = arith.constant 0 : i32
        %add3A_655 = arith.addi %add3A_654, %scan3A_134 : i32
        %get3A_656 = arith.index_cast %rem3A_90 : i32 to index
        %get3A_657 = arith.index_cast %add3A_655 : i32 to index
        %get3A_658 = arith.constant 80 : index
        %get3A_659 = tpu.vector_load %arg8[%get3A_656, %get3A_657, %get3A_658] {strides = array<i32>} : memref<2x128x128xf32, #tpu.memory_space<vmem>>, vector<1x1x16xf32>,
        %get3A_660 = vector.shape_cast %get3A_659 : vector<1x1x16xf32> to vector<16xf32>
        %select_n3A_661 = arith.select %eq3A_653, %get3A_660, %get3A_645 : vector<16xi1>, vector<16xf32>
        %add3A_662 = arith.constant 0 : i32
        %add3A_663 = arith.addi %add3A_662, %scan3A_134 : i32
        %get3A_664 = arith.index_cast %rem3A_90 : i32 to index
        %get3A_665 = arith.index_cast %add3A_663 : i32 to index
        %get3A_666 = arith.constant 80 : index
        %get3A_667 = tpu.vector_load %arg9[%get3A_664, %get3A_665, %get3A_666] {strides = array<i32>} : memref<2x128x128xf32, #tpu.memory_space<vmem>>, vector<1x1x16xf32>,
        %get3A_668 = vector.shape_cast %get3A_667 : vector<1x1x16xf32> to vector<16xf32>
        %select_n3A_669 = arith.select %eq3A_653, %get3A_668, %get3A_649 : vector<16xi1>, vector<16xf32>
        %add3A_670 = arith.constant 1 : i32
        %add3A_671 = arith.addi %add3A_125, %add3A_670 : i32
        %eq3A_672 = vector.broadcast %add3A_671 : i32 to vector<16xi32>
        %eq3A_673 = arith.cmpi eq, %get3A_641, %eq3A_672 : vector<16xi32>
        %add3A_674 = arith.constant 32 : i32
        %add3A_675 = arith.addi %add3A_674, %scan3A_134 : i32
        %get3A_676 = arith.index_cast %rem3A_90 : i32 to index
        %get3A_677 = arith.index_cast %add3A_675 : i32 to index
        %get3A_678 = arith.constant 80 : index
        %get3A_679 = tpu.vector_load %arg8[%get3A_676, %get3A_677, %get3A_678] {strides = array<i32>} : memref<2x128x128xf32, #tpu.memory_space<vmem>>, vector<1x1x16xf32>,
        %get3A_680 = vector.shape_cast %get3A_679 : vector<1x1x16xf32> to vector<16xf32>
        %select_n3A_681 = arith.select %eq3A_673, %get3A_680, %select_n3A_661 : vector<16xi1>, vector<16xf32>
        %add3A_682 = arith.constant 32 : i32
        %add3A_683 = arith.addi %add3A_682, %scan3A_134 : i32
        %get3A_684 = arith.index_cast %rem3A_90 : i32 to index
        %get3A_685 = arith.index_cast %add3A_683 : i32 to index
        %get3A_686 = arith.constant 80 : index
        %get3A_687 = tpu.vector_load %arg9[%get3A_684, %get3A_685, %get3A_686] {strides = array<i32>} : memref<2x128x128xf32, #tpu.memory_space<vmem>>, vector<1x1x16xf32>,
        %get3A_688 = vector.shape_cast %get3A_687 : vector<1x1x16xf32> to vector<16xf32>
        %select_n3A_689 = arith.select %eq3A_673, %get3A_688, %select_n3A_669 : vector<16xi1>, vector<16xf32>
        %add3A_690 = arith.constant 2 : i32
        %add3A_691 = arith.addi %add3A_125, %add3A_690 : i32
        %eq3A_692 = vector.broadcast %add3A_691 : i32 to vector<16xi32>
        %eq3A_693 = arith.cmpi eq, %get3A_641, %eq3A_692 : vector<16xi32>
        %add3A_694 = arith.constant 64 : i32
        %add3A_695 = arith.addi %add3A_694, %scan3A_134 : i32
        %get3A_696 = arith.index_cast %rem3A_90 : i32 to index
        %get3A_697 = arith.index_cast %add3A_695 : i32 to index
        %get3A_698 = arith.constant 80 : index
        %get3A_699 = tpu.vector_load %arg8[%get3A_696, %get3A_697, %get3A_698] {strides = array<i32>} : memref<2x128x128xf32, #tpu.memory_space<vmem>>, vector<1x1x16xf32>,
        %get3A_700 = vector.shape_cast %get3A_699 : vector<1x1x16xf32> to vector<16xf32>
        %select_n3A_701 = arith.select %eq3A_693, %get3A_700, %select_n3A_681 : vector<16xi1>, vector<16xf32>
        %add3A_702 = arith.constant 64 : i32
        %add3A_703 = arith.addi %add3A_702, %scan3A_134 : i32
        %get3A_704 = arith.index_cast %rem3A_90 : i32 to index
        %get3A_705 = arith.index_cast %add3A_703 : i32 to index
        %get3A_706 = arith.constant 80 : index
        %get3A_707 = tpu.vector_load %arg9[%get3A_704, %get3A_705, %get3A_706] {strides = array<i32>} : memref<2x128x128xf32, #tpu.memory_space<vmem>>, vector<1x1x16xf32>,
        %get3A_708 = vector.shape_cast %get3A_707 : vector<1x1x16xf32> to vector<16xf32>
        %select_n3A_709 = arith.select %eq3A_693, %get3A_708, %select_n3A_689 : vector<16xi1>, vector<16xf32>
        %add3A_710 = arith.constant 3 : i32
        %add3A_711 = arith.addi %add3A_125, %add3A_710 : i32
        %eq3A_712 = vector.broadcast %add3A_711 : i32 to vector<16xi32>
        %eq3A_713 = arith.cmpi eq, %get3A_641, %eq3A_712 : vector<16xi32>
        %add3A_714 = arith.constant 96 : i32
        %add3A_715 = arith.addi %add3A_714, %scan3A_134 : i32
        %get3A_716 = arith.index_cast %rem3A_90 : i32 to index
        %get3A_717 = arith.index_cast %add3A_715 : i32 to index
        %get3A_718 = arith.constant 80 : index
        %get3A_719 = tpu.vector_load %arg8[%get3A_716, %get3A_717, %get3A_718] {strides = array<i32>} : memref<2x128x128xf32, #tpu.memory_space<vmem>>, vector<1x1x16xf32>,
        %get3A_720 = vector.shape_cast %get3A_719 : vector<1x1x16xf32> to vector<16xf32>
        %select_n3A_721 = arith.select %eq3A_713, %get3A_720, %select_n3A_701 : vector<16xi1>, vector<16xf32>
        %add3A_722 = arith.constant 96 : i32
        %add3A_723 = arith.addi %add3A_722, %scan3A_134 : i32
        %get3A_724 = arith.index_cast %rem3A_90 : i32 to index
        %get3A_725 = arith.index_cast %add3A_723 : i32 to index
        %get3A_726 = arith.constant 80 : index
        %get3A_727 = tpu.vector_load %arg9[%get3A_724, %get3A_725, %get3A_726] {strides = array<i32>} : memref<2x128x128xf32, #tpu.memory_space<vmem>>, vector<1x1x16xf32>,
        %get3A_728 = vector.shape_cast %get3A_727 : vector<1x1x16xf32> to vector<16xf32>
        %select_n3A_729 = arith.select %eq3A_713, %get3A_728, %select_n3A_709 : vector<16xi1>, vector<16xf32>
        %swap3A_730 = arith.index_cast %scan3A_134 : i32 to index
        %swap3A_731 = arith.constant 80 : index
        %swap3A_732 = tpu.vector_load %arg11[%swap3A_730, %swap3A_731] {strides = array<i32>} : memref<32x128xf32, #tpu.memory_space<vmem>>, vector<1x16xf32>,
        %swap3A_733 = vector.shape_cast %swap3A_732 : vector<1x16xf32> to vector<16xf32>
        %swap3A_734 = vector.shape_cast %select_n3A_721 : vector<16xf32> to vector<1x16xf32>
        tpu.vector_store %arg11[%swap3A_730, %swap3A_731], %swap3A_734 {strides = array<i32>} : memref<32x128xf32, #tpu.memory_space<vmem>>, vector<1x16xf32>,
        %swap3A_735 = arith.index_cast %scan3A_134 : i32 to index
        %swap3A_736 = arith.constant 80 : index
        %swap3A_737 = tpu.vector_load %arg12[%swap3A_735, %swap3A_736] {strides = array<i32>} : memref<32x128xf32, #tpu.memory_space<vmem>>, vector<1x16xf32>,
        %swap3A_738 = vector.shape_cast %swap3A_737 : vector<1x16xf32> to vector<16xf32>
        %swap3A_739 = vector.shape_cast %select_n3A_729 : vector<16xf32> to vector<1x16xf32>
        tpu.vector_store %arg12[%swap3A_735, %swap3A_736], %swap3A_739 {strides = array<i32>} : memref<32x128xf32, #tpu.memory_space<vmem>>, vector<1x16xf32>,
        %get3A_740 = arith.constant 96 : index
        %get3A_741 = tpu.vector_load %arg7[%get3A_740] {strides = array<i32>} : memref<128xi32, #tpu.memory_space<vmem>>, vector<16xi32>,
        %get3A_742 = vector.shape_cast %get3A_741 : vector<16xi32> to vector<16xi32>
        %get3A_743 = arith.index_cast %scan3A_134 : i32 to index
        %get3A_744 = arith.constant 96 : index
        %get3A_745 = tpu.vector_load %arg11[%get3A_743, %get3A_744] {strides = array<i32>} : memref<32x128xf32, #tpu.memory_space<vmem>>, vector<1x16xf32>,
        %get3A_746 = vector.shape_cast %get3A_745 : vector<1x16xf32> to vector<16xf32>
        %get3A_747 = arith.index_cast %scan3A_134 : i32 to index
        %get3A_748 = arith.constant 96 : index
        %get3A_749 = tpu.vector_load %arg12[%get3A_747, %get3A_748] {strides = array<i32>} : memref<32x128xf32, #tpu.memory_space<vmem>>, vector<1x16xf32>,
        %get3A_750 = vector.shape_cast %get3A_749 : vector<1x16xf32> to vector<16xf32>
        %add3A_751 = arith.constant 0 : i32
        %add3A_752 = arith.addi %add3A_125, %add3A_751 : i32
        %eq3A_753 = vector.broadcast %add3A_752 : i32 to vector<16xi32>
        %eq3A_754 = arith.cmpi eq, %get3A_742, %eq3A_753 : vector<16xi32>
        %add3A_755 = arith.constant 0 : i32
        %add3A_756 = arith.addi %add3A_755, %scan3A_134 : i32
        %get3A_757 = arith.index_cast %rem3A_90 : i32 to index
        %get3A_758 = arith.index_cast %add3A_756 : i32 to index
        %get3A_759 = arith.constant 96 : index
        %get3A_760 = tpu.vector_load %arg8[%get3A_757, %get3A_758, %get3A_759] {strides = array<i32>} : memref<2x128x128xf32, #tpu.memory_space<vmem>>, vector<1x1x16xf32>,
        %get3A_761 = vector.shape_cast %get3A_760 : vector<1x1x16xf32> to vector<16xf32>
        %select_n3A_762 = arith.select %eq3A_754, %get3A_761, %get3A_746 : vector<16xi1>, vector<16xf32>
        %add3A_763 = arith.constant 0 : i32
        %add3A_764 = arith.addi %add3A_763, %scan3A_134 : i32
        %get3A_765 = arith.index_cast %rem3A_90 : i32 to index
        %get3A_766 = arith.index_cast %add3A_764 : i32 to index
        %get3A_767 = arith.constant 96 : index
        %get3A_768 = tpu.vector_load %arg9[%get3A_765, %get3A_766, %get3A_767] {strides = array<i32>} : memref<2x128x128xf32, #tpu.memory_space<vmem>>, vector<1x1x16xf32>,
        %get3A_769 = vector.shape_cast %get3A_768 : vector<1x1x16xf32> to vector<16xf32>
        %select_n3A_770 = arith.select %eq3A_754, %get3A_769, %get3A_750 : vector<16xi1>, vector<16xf32>
        %add3A_771 = arith.constant 1 : i32
        %add3A_772 = arith.addi %add3A_125, %add3A_771 : i32
        %eq3A_773 = vector.broadcast %add3A_772 : i32 to vector<16xi32>
        %eq3A_774 = arith.cmpi eq, %get3A_742, %eq3A_773 : vector<16xi32>
        %add3A_775 = arith.constant 32 : i32
        %add3A_776 = arith.addi %add3A_775, %scan3A_134 : i32
        %get3A_777 = arith.index_cast %rem3A_90 : i32 to index
        %get3A_778 = arith.index_cast %add3A_776 : i32 to index
        %get3A_779 = arith.constant 96 : index
        %get3A_780 = tpu.vector_load %arg8[%get3A_777, %get3A_778, %get3A_779] {strides = array<i32>} : memref<2x128x128xf32, #tpu.memory_space<vmem>>, vector<1x1x16xf32>,
        %get3A_781 = vector.shape_cast %get3A_780 : vector<1x1x16xf32> to vector<16xf32>
        %select_n3A_782 = arith.select %eq3A_774, %get3A_781, %select_n3A_762 : vector<16xi1>, vector<16xf32>
        %add3A_783 = arith.constant 32 : i32
        %add3A_784 = arith.addi %add3A_783, %scan3A_134 : i32
        %get3A_785 = arith.index_cast %rem3A_90 : i32 to index
        %get3A_786 = arith.index_cast %add3A_784 : i32 to index
        %get3A_787 = arith.constant 96 : index
        %get3A_788 = tpu.vector_load %arg9[%get3A_785, %get3A_786, %get3A_787] {strides = array<i32>} : memref<2x128x128xf32, #tpu.memory_space<vmem>>, vector<1x1x16xf32>,
        %get3A_789 = vector.shape_cast %get3A_788 : vector<1x1x16xf32> to vector<16xf32>
        %select_n3A_790 = arith.select %eq3A_774, %get3A_789, %select_n3A_770 : vector<16xi1>, vector<16xf32>
        %add3A_791 = arith.constant 2 : i32
        %add3A_792 = arith.addi %add3A_125, %add3A_791 : i32
        %eq3A_793 = vector.broadcast %add3A_792 : i32 to vector<16xi32>
        %eq3A_794 = arith.cmpi eq, %get3A_742, %eq3A_793 : vector<16xi32>
        %add3A_795 = arith.constant 64 : i32
        %add3A_796 = arith.addi %add3A_795, %scan3A_134 : i32
        %get3A_797 = arith.index_cast %rem3A_90 : i32 to index
        %get3A_798 = arith.index_cast %add3A_796 : i32 to index
        %get3A_799 = arith.constant 96 : index
        %get3A_800 = tpu.vector_load %arg8[%get3A_797, %get3A_798, %get3A_799] {strides = array<i32>} : memref<2x128x128xf32, #tpu.memory_space<vmem>>, vector<1x1x16xf32>,
        %get3A_801 = vector.shape_cast %get3A_800 : vector<1x1x16xf32> to vector<16xf32>
        %select_n3A_802 = arith.select %eq3A_794, %get3A_801, %select_n3A_782 : vector<16xi1>, vector<16xf32>
        %add3A_803 = arith.constant 64 : i32
        %add3A_804 = arith.addi %add3A_803, %scan3A_134 : i32
        %get3A_805 = arith.index_cast %rem3A_90 : i32 to index
        %get3A_806 = arith.index_cast %add3A_804 : i32 to index
        %get3A_807 = arith.constant 96 : index
        %get3A_808 = tpu.vector_load %arg9[%get3A_805, %get3A_806, %get3A_807] {strides = array<i32>} : memref<2x128x128xf32, #tpu.memory_space<vmem>>, vector<1x1x16xf32>,
        %get3A_809 = vector.shape_cast %get3A_808 : vector<1x1x16xf32> to vector<16xf32>
        %select_n3A_810 = arith.select %eq3A_794, %get3A_809, %select_n3A_790 : vector<16xi1>, vector<16xf32>
        %add3A_811 = arith.constant 3 : i32
        %add3A_812 = arith.addi %add3A_125, %add3A_811 : i32
        %eq3A_813 = vector.broadcast %add3A_812 : i32 to vector<16xi32>
        %eq3A_814 = arith.cmpi eq, %get3A_742, %eq3A_813 : vector<16xi32>
        %add3A_815 = arith.constant 96 : i32
        %add3A_816 = arith.addi %add3A_815, %scan3A_134 : i32
        %get3A_817 = arith.index_cast %rem3A_90 : i32 to index
        %get3A_818 = arith.index_cast %add3A_816 : i32 to index
        %get3A_819 = arith.constant 96 : index
        %get3A_820 = tpu.vector_load %arg8[%get3A_817, %get3A_818, %get3A_819] {strides = array<i32>} : memref<2x128x128xf32, #tpu.memory_space<vmem>>, vector<1x1x16xf32>,
        %get3A_821 = vector.shape_cast %get3A_820 : vector<1x1x16xf32> to vector<16xf32>
        %select_n3A_822 = arith.select %eq3A_814, %get3A_821, %select_n3A_802 : vector<16xi1>, vector<16xf32>
        %add3A_823 = arith.constant 96 : i32
        %add3A_824 = arith.addi %add3A_823, %scan3A_134 : i32
        %get3A_825 = arith.index_cast %rem3A_90 : i32 to index
        %get3A_826 = arith.index_cast %add3A_824 : i32 to index
        %get3A_827 = arith.constant 96 : index
        %get3A_828 = tpu.vector_load %arg9[%get3A_825, %get3A_826, %get3A_827] {strides = array<i32>} : memref<2x128x128xf32, #tpu.memory_space<vmem>>, vector<1x1x16xf32>,
        %get3A_829 = vector.shape_cast %get3A_828 : vector<1x1x16xf32> to vector<16xf32>
        %select_n3A_830 = arith.select %eq3A_814, %get3A_829, %select_n3A_810 : vector<16xi1>, vector<16xf32>
        %swap3A_831 = arith.index_cast %scan3A_134 : i32 to index
        %swap3A_832 = arith.constant 96 : index
        %swap3A_833 = tpu.vector_load %arg11[%swap3A_831, %swap3A_832] {strides = array<i32>} : memref<32x128xf32, #tpu.memory_space<vmem>>, vector<1x16xf32>,
        %swap3A_834 = vector.shape_cast %swap3A_833 : vector<1x16xf32> to vector<16xf32>
        %swap3A_835 = vector.shape_cast %select_n3A_822 : vector<16xf32> to vector<1x16xf32>
        tpu.vector_store %arg11[%swap3A_831, %swap3A_832], %swap3A_835 {strides = array<i32>} : memref<32x128xf32, #tpu.memory_space<vmem>>, vector<1x16xf32>,
        %swap3A_836 = arith.index_cast %scan3A_134 : i32 to index
        %swap3A_837 = arith.constant 96 : index
        %swap3A_838 = tpu.vector_load %arg12[%swap3A_836, %swap3A_837] {strides = array<i32>} : memref<32x128xf32, #tpu.memory_space<vmem>>, vector<1x16xf32>,
        %swap3A_839 = vector.shape_cast %swap3A_838 : vector<1x16xf32> to vector<16xf32>
        %swap3A_840 = vector.shape_cast %select_n3A_830 : vector<16xf32> to vector<1x16xf32>
        tpu.vector_store %arg12[%swap3A_836, %swap3A_837], %swap3A_840 {strides = array<i32>} : memref<32x128xf32, #tpu.memory_space<vmem>>, vector<1x16xf32>,
        %get3A_841 = arith.constant 112 : index
        %get3A_842 = tpu.vector_load %arg7[%get3A_841] {strides = array<i32>} : memref<128xi32, #tpu.memory_space<vmem>>, vector<16xi32>,
        %get3A_843 = vector.shape_cast %get3A_842 : vector<16xi32> to vector<16xi32>
        %get3A_844 = arith.index_cast %scan3A_134 : i32 to index
        %get3A_845 = arith.constant 112 : index
        %get3A_846 = tpu.vector_load %arg11[%get3A_844, %get3A_845] {strides = array<i32>} : memref<32x128xf32, #tpu.memory_space<vmem>>, vector<1x16xf32>,
        %get3A_847 = vector.shape_cast %get3A_846 : vector<1x16xf32> to vector<16xf32>
        %get3A_848 = arith.index_cast %scan3A_134 : i32 to index
        %get3A_849 = arith.constant 112 : index
        %get3A_850 = tpu.vector_load %arg12[%get3A_848, %get3A_849] {strides = array<i32>} : memref<32x128xf32, #tpu.memory_space<vmem>>, vector<1x16xf32>,
        %get3A_851 = vector.shape_cast %get3A_850 : vector<1x16xf32> to vector<16xf32>
        %add3A_852 = arith.constant 0 : i32
        %add3A_853 = arith.addi %add3A_125, %add3A_852 : i32
        %eq3A_854 = vector.broadcast %add3A_853 : i32 to vector<16xi32>
        %eq3A_855 = arith.cmpi eq, %get3A_843, %eq3A_854 : vector<16xi32>
        %add3A_856 = arith.constant 0 : i32
        %add3A_857 = arith.addi %add3A_856, %scan3A_134 : i32
        %get3A_858 = arith.index_cast %rem3A_90 : i32 to index
        %get3A_859 = arith.index_cast %add3A_857 : i32 to index
        %get3A_860 = arith.constant 112 : index
        %get3A_861 = tpu.vector_load %arg8[%get3A_858, %get3A_859, %get3A_860] {strides = array<i32>} : memref<2x128x128xf32, #tpu.memory_space<vmem>>, vector<1x1x16xf32>,
        %get3A_862 = vector.shape_cast %get3A_861 : vector<1x1x16xf32> to vector<16xf32>
        %select_n3A_863 = arith.select %eq3A_855, %get3A_862, %get3A_847 : vector<16xi1>, vector<16xf32>
        %add3A_864 = arith.constant 0 : i32
        %add3A_865 = arith.addi %add3A_864, %scan3A_134 : i32
        %get3A_866 = arith.index_cast %rem3A_90 : i32 to index
        %get3A_867 = arith.index_cast %add3A_865 : i32 to index
        %get3A_868 = arith.constant 112 : index
        %get3A_869 = tpu.vector_load %arg9[%get3A_866, %get3A_867, %get3A_868] {strides = array<i32>} : memref<2x128x128xf32, #tpu.memory_space<vmem>>, vector<1x1x16xf32>,
        %get3A_870 = vector.shape_cast %get3A_869 : vector<1x1x16xf32> to vector<16xf32>
        %select_n3A_871 = arith.select %eq3A_855, %get3A_870, %get3A_851 : vector<16xi1>, vector<16xf32>
        %add3A_872 = arith.constant 1 : i32
        %add3A_873 = arith.addi %add3A_125, %add3A_872 : i32
        %eq3A_874 = vector.broadcast %add3A_873 : i32 to vector<16xi32>
        %eq3A_875 = arith.cmpi eq, %get3A_843, %eq3A_874 : vector<16xi32>
        %add3A_876 = arith.constant 32 : i32
        %add3A_877 = arith.addi %add3A_876, %scan3A_134 : i32
        %get3A_878 = arith.index_cast %rem3A_90 : i32 to index
        %get3A_879 = arith.index_cast %add3A_877 : i32 to index
        %get3A_880 = arith.constant 112 : index
        %get3A_881 = tpu.vector_load %arg8[%get3A_878, %get3A_879, %get3A_880] {strides = array<i32>} : memref<2x128x128xf32, #tpu.memory_space<vmem>>, vector<1x1x16xf32>,
        %get3A_882 = vector.shape_cast %get3A_881 : vector<1x1x16xf32> to vector<16xf32>
        %select_n3A_883 = arith.select %eq3A_875, %get3A_882, %select_n3A_863 : vector<16xi1>, vector<16xf32>
        %add3A_884 = arith.constant 32 : i32
        %add3A_885 = arith.addi %add3A_884, %scan3A_134 : i32
        %get3A_886 = arith.index_cast %rem3A_90 : i32 to index
        %get3A_887 = arith.index_cast %add3A_885 : i32 to index
        %get3A_888 = arith.constant 112 : index
        %get3A_889 = tpu.vector_load %arg9[%get3A_886, %get3A_887, %get3A_888] {strides = array<i32>} : memref<2x128x128xf32, #tpu.memory_space<vmem>>, vector<1x1x16xf32>,
        %get3A_890 = vector.shape_cast %get3A_889 : vector<1x1x16xf32> to vector<16xf32>
        %select_n3A_891 = arith.select %eq3A_875, %get3A_890, %select_n3A_871 : vector<16xi1>, vector<16xf32>
        %add3A_892 = arith.constant 2 : i32
        %add3A_893 = arith.addi %add3A_125, %add3A_892 : i32
        %eq3A_894 = vector.broadcast %add3A_893 : i32 to vector<16xi32>
        %eq3A_895 = arith.cmpi eq, %get3A_843, %eq3A_894 : vector<16xi32>
        %add3A_896 = arith.constant 64 : i32
        %add3A_897 = arith.addi %add3A_896, %scan3A_134 : i32
        %get3A_898 = arith.index_cast %rem3A_90 : i32 to index
        %get3A_899 = arith.index_cast %add3A_897 : i32 to index
        %get3A_900 = arith.constant 112 : index
        %get3A_901 = tpu.vector_load %arg8[%get3A_898, %get3A_899, %get3A_900] {strides = array<i32>} : memref<2x128x128xf32, #tpu.memory_space<vmem>>, vector<1x1x16xf32>,
        %get3A_902 = vector.shape_cast %get3A_901 : vector<1x1x16xf32> to vector<16xf32>
        %select_n3A_903 = arith.select %eq3A_895, %get3A_902, %select_n3A_883 : vector<16xi1>, vector<16xf32>
        %add3A_904 = arith.constant 64 : i32
        %add3A_905 = arith.addi %add3A_904, %scan3A_134 : i32
        %get3A_906 = arith.index_cast %rem3A_90 : i32 to index
        %get3A_907 = arith.index_cast %add3A_905 : i32 to index
        %get3A_908 = arith.constant 112 : index
        %get3A_909 = tpu.vector_load %arg9[%get3A_906, %get3A_907, %get3A_908] {strides = array<i32>} : memref<2x128x128xf32, #tpu.memory_space<vmem>>, vector<1x1x16xf32>,
        %get3A_910 = vector.shape_cast %get3A_909 : vector<1x1x16xf32> to vector<16xf32>
        %select_n3A_911 = arith.select %eq3A_895, %get3A_910, %select_n3A_891 : vector<16xi1>, vector<16xf32>
        %add3A_912 = arith.constant 3 : i32
        %add3A_913 = arith.addi %add3A_125, %add3A_912 : i32
        %eq3A_914 = vector.broadcast %add3A_913 : i32 to vector<16xi32>
        %eq3A_915 = arith.cmpi eq, %get3A_843, %eq3A_914 : vector<16xi32>
        %add3A_916 = arith.constant 96 : i32
        %add3A_917 = arith.addi %add3A_916, %scan3A_134 : i32
        %get3A_918 = arith.index_cast %rem3A_90 : i32 to index
        %get3A_919 = arith.index_cast %add3A_917 : i32 to index
        %get3A_920 = arith.constant 112 : index
        %get3A_921 = tpu.vector_load %arg8[%get3A_918, %get3A_919, %get3A_920] {strides = array<i32>} : memref<2x128x128xf32, #tpu.memory_space<vmem>>, vector<1x1x16xf32>,
        %get3A_922 = vector.shape_cast %get3A_921 : vector<1x1x16xf32> to vector<16xf32>
        %select_n3A_923 = arith.select %eq3A_915, %get3A_922, %select_n3A_903 : vector<16xi1>, vector<16xf32>
        %add3A_924 = arith.constant 96 : i32
        %add3A_925 = arith.addi %add3A_924, %scan3A_134 : i32
        %get3A_926 = arith.index_cast %rem3A_90 : i32 to index
        %get3A_927 = arith.index_cast %add3A_925 : i32 to index
        %get3A_928 = arith.constant 112 : index
        %get3A_929 = tpu.vector_load %arg9[%get3A_926, %get3A_927, %get3A_928] {strides = array<i32>} : memref<2x128x128xf32, #tpu.memory_space<vmem>>, vector<1x1x16xf32>,
        %get3A_930 = vector.shape_cast %get3A_929 : vector<1x1x16xf32> to vector<16xf32>
        %select_n3A_931 = arith.select %eq3A_915, %get3A_930, %select_n3A_911 : vector<16xi1>, vector<16xf32>
        %swap3A_932 = arith.index_cast %scan3A_134 : i32 to index
        %swap3A_933 = arith.constant 112 : index
        %swap3A_934 = tpu.vector_load %arg11[%swap3A_932, %swap3A_933] {strides = array<i32>} : memref<32x128xf32, #tpu.memory_space<vmem>>, vector<1x16xf32>,
        %swap3A_935 = vector.shape_cast %swap3A_934 : vector<1x16xf32> to vector<16xf32>
        %swap3A_936 = vector.shape_cast %select_n3A_923 : vector<16xf32> to vector<1x16xf32>
        tpu.vector_store %arg11[%swap3A_932, %swap3A_933], %swap3A_936 {strides = array<i32>} : memref<32x128xf32, #tpu.memory_space<vmem>>, vector<1x16xf32>,
        %swap3A_937 = arith.index_cast %scan3A_134 : i32 to index
        %swap3A_938 = arith.constant 112 : index
        %swap3A_939 = tpu.vector_load %arg12[%swap3A_937, %swap3A_938] {strides = array<i32>} : memref<32x128xf32, #tpu.memory_space<vmem>>, vector<1x16xf32>,
        %swap3A_940 = vector.shape_cast %swap3A_939 : vector<1x16xf32> to vector<16xf32>
        %swap3A_941 = vector.shape_cast %select_n3A_931 : vector<16xf32> to vector<1x16xf32>
        tpu.vector_store %arg12[%swap3A_937, %swap3A_938], %swap3A_941 {strides = array<i32>} : memref<32x128xf32, #tpu.memory_space<vmem>>, vector<1x16xf32>,
        %scan3A_942 = arith.constant 0 : i32
        scf.yield %scan3A_942 : i32
      }
      %scan3A_132 = arith.constant 32 : i32
      %scan3A_133 = arith.constant 0 : i32
      scf.yield %scan3A_133 : i32
    }
    %scan3A_77 = arith.constant 4 : i32
    %scan3A_78 = arith.constant 0 : i32
    %scan3A_79 = arith.constant 0 : i32
    %scan3A_80 = arith.constant 32 : i32
    %scan3A_81 = arith.addi %scan3A_79, %scan3A_80 : i32
    %scan3A_82 = arith.constant 1 : i32
    %scan3A_83 = scf.for %scan3A_87 = %scan3A_79 to %scan3A_81 step %scan3A_82 iter_args(%scan3A_88 = %scan3A_78) -> (i32)  : i32 {
      %get3A = arith.index_cast %scan3A_87 : i32 to index
      %get3A_89 = arith.constant 0 : index
      %get3A_90 = tpu.vector_load %arg11[%get3A, %get3A_89] {strides = array<i32>} : memref<32x128xf32, #tpu.memory_space<vmem>>, vector<1x16xf32>,
      %get3A_91 = vector.shape_cast %get3A_90 : vector<1x16xf32> to vector<16xf32>
      %get3A_92 = arith.index_cast %scan3A_87 : i32 to index
      %get3A_93 = arith.constant 0 : index
      %get3A_94 = tpu.vector_load %arg12[%get3A_92, %get3A_93] {strides = array<i32>} : memref<32x128xf32, #tpu.memory_space<vmem>>, vector<1x16xf32>,
      %get3A_95 = vector.shape_cast %get3A_94 : vector<1x16xf32> to vector<16xf32>
      %get3A_96 = arith.index_cast %scan3A_87 : i32 to index
      %get3A_97 = arith.constant 0 : index
      %get3A_98 = tpu.vector_load %arg10[%get3A_96, %get3A_97] {strides = array<i32>} : memref<32x128xf32, #tpu.memory_space<vmem>>, vector<1x16xf32>,
      %get3A_99 = vector.shape_cast %get3A_98 : vector<1x16xf32> to vector<16xf32>
      %mul3A_100 = arith.mulf %get3A_95, %get3A_99 : vector<16xf32>
      %add3A_101 = arith.addf %get3A_91, %mul3A_100 : vector<16xf32>
      %swap3A = arith.index_cast %scan3A_87 : i32 to index
      %swap3A_102 = arith.constant 0 : index
      %swap3A_103 = tpu.vector_load %arg11[%swap3A, %swap3A_102] {strides = array<i32>} : memref<32x128xf32, #tpu.memory_space<vmem>>, vector<1x16xf32>,
      %swap3A_104 = vector.shape_cast %swap3A_103 : vector<1x16xf32> to vector<16xf32>
      %swap3A_105 = vector.shape_cast %add3A_101 : vector<16xf32> to vector<1x16xf32>
      tpu.vector_store %arg11[%swap3A, %swap3A_102], %swap3A_105 {strides = array<i32>} : memref<32x128xf32, #tpu.memory_space<vmem>>, vector<1x16xf32>,
      %get3A_106 = arith.index_cast %scan3A_87 : i32 to index
      %get3A_107 = arith.constant 16 : index
      %get3A_108 = tpu.vector_load %arg11[%get3A_106, %get3A_107] {strides = array<i32>} : memref<32x128xf32, #tpu.memory_space<vmem>>, vector<1x16xf32>,
      %get3A_109 = vector.shape_cast %get3A_108 : vector<1x16xf32> to vector<16xf32>
      %get3A_110 = arith.index_cast %scan3A_87 : i32 to index
      %get3A_111 = arith.constant 16 : index
      %get3A_112 = tpu.vector_load %arg12[%get3A_110, %get3A_111] {strides = array<i32>} : memref<32x128xf32, #tpu.memory_space<vmem>>, vector<1x16xf32>,
      %get3A_113 = vector.shape_cast %get3A_112 : vector<1x16xf32> to vector<16xf32>
      %get3A_114 = arith.index_cast %scan3A_87 : i32 to index
      %get3A_115 = arith.constant 16 : index
      %get3A_116 = tpu.vector_load %arg10[%get3A_114, %get3A_115] {strides = array<i32>} : memref<32x128xf32, #tpu.memory_space<vmem>>, vector<1x16xf32>,
      %get3A_117 = vector.shape_cast %get3A_116 : vector<1x16xf32> to vector<16xf32>
      %mul3A_118 = arith.mulf %get3A_113, %get3A_117 : vector<16xf32>
      %add3A_119 = arith.addf %get3A_109, %mul3A_118 : vector<16xf32>
      %swap3A_120 = arith.index_cast %scan3A_87 : i32 to index
      %swap3A_121 = arith.constant 16 : index
      %swap3A_122 = tpu.vector_load %arg11[%swap3A_120, %swap3A_121] {strides = array<i32>} : memref<32x128xf32, #tpu.memory_space<vmem>>, vector<1x16xf32>,
      %swap3A_123 = vector.shape_cast %swap3A_122 : vector<1x16xf32> to vector<16xf32>
      %swap3A_124 = vector.shape_cast %add3A_119 : vector<16xf32> to vector<1x16xf32>
      tpu.vector_store %arg11[%swap3A_120, %swap3A_121], %swap3A_124 {strides = array<i32>} : memref<32x128xf32, #tpu.memory_space<vmem>>, vector<1x16xf32>,
      %get3A_125 = arith.index_cast %scan3A_87 : i32 to index
      %get3A_126 = arith.constant 32 : index
      %get3A_127 = tpu.vector_load %arg11[%get3A_125, %get3A_126] {strides = array<i32>} : memref<32x128xf32, #tpu.memory_space<vmem>>, vector<1x16xf32>,
      %get3A_128 = vector.shape_cast %get3A_127 : vector<1x16xf32> to vector<16xf32>
      %get3A_129 = arith.index_cast %scan3A_87 : i32 to index
      %get3A_130 = arith.constant 32 : index
      %get3A_131 = tpu.vector_load %arg12[%get3A_129, %get3A_130] {strides = array<i32>} : memref<32x128xf32, #tpu.memory_space<vmem>>, vector<1x16xf32>,
      %get3A_132 = vector.shape_cast %get3A_131 : vector<1x16xf32> to vector<16xf32>
      %get3A_133 = arith.index_cast %scan3A_87 : i32 to index
      %get3A_134 = arith.constant 32 : index
      %get3A_135 = tpu.vector_load %arg10[%get3A_133, %get3A_134] {strides = array<i32>} : memref<32x128xf32, #tpu.memory_space<vmem>>, vector<1x16xf32>,
      %get3A_136 = vector.shape_cast %get3A_135 : vector<1x16xf32> to vector<16xf32>
      %mul3A_137 = arith.mulf %get3A_132, %get3A_136 : vector<16xf32>
      %add3A_138 = arith.addf %get3A_128, %mul3A_137 : vector<16xf32>
      %swap3A_139 = arith.index_cast %scan3A_87 : i32 to index
      %swap3A_140 = arith.constant 32 : index
      %swap3A_141 = tpu.vector_load %arg11[%swap3A_139, %swap3A_140] {strides = array<i32>} : memref<32x128xf32, #tpu.memory_space<vmem>>, vector<1x16xf32>,
      %swap3A_142 = vector.shape_cast %swap3A_141 : vector<1x16xf32> to vector<16xf32>
      %swap3A_143 = vector.shape_cast %add3A_138 : vector<16xf32> to vector<1x16xf32>
      tpu.vector_store %arg11[%swap3A_139, %swap3A_140], %swap3A_143 {strides = array<i32>} : memref<32x128xf32, #tpu.memory_space<vmem>>, vector<1x16xf32>,
      %get3A_144 = arith.index_cast %scan3A_87 : i32 to index
      %get3A_145 = arith.constant 48 : index
      %get3A_146 = tpu.vector_load %arg11[%get3A_144, %get3A_145] {strides = array<i32>} : memref<32x128xf32, #tpu.memory_space<vmem>>, vector<1x16xf32>,
      %get3A_147 = vector.shape_cast %get3A_146 : vector<1x16xf32> to vector<16xf32>
      %get3A_148 = arith.index_cast %scan3A_87 : i32 to index
      %get3A_149 = arith.constant 48 : index
      %get3A_150 = tpu.vector_load %arg12[%get3A_148, %get3A_149] {strides = array<i32>} : memref<32x128xf32, #tpu.memory_space<vmem>>, vector<1x16xf32>,
      %get3A_151 = vector.shape_cast %get3A_150 : vector<1x16xf32> to vector<16xf32>
      %get3A_152 = arith.index_cast %scan3A_87 : i32 to index
      %get3A_153 = arith.constant 48 : index
      %get3A_154 = tpu.vector_load %arg10[%get3A_152, %get3A_153] {strides = array<i32>} : memref<32x128xf32, #tpu.memory_space<vmem>>, vector<1x16xf32>,
      %get3A_155 = vector.shape_cast %get3A_154 : vector<1x16xf32> to vector<16xf32>
      %mul3A_156 = arith.mulf %get3A_151, %get3A_155 : vector<16xf32>
      %add3A_157 = arith.addf %get3A_147, %mul3A_156 : vector<16xf32>
      %swap3A_158 = arith.index_cast %scan3A_87 : i32 to index
      %swap3A_159 = arith.constant 48 : index
      %swap3A_160 = tpu.vector_load %arg11[%swap3A_158, %swap3A_159] {strides = array<i32>} : memref<32x128xf32, #tpu.memory_space<vmem>>, vector<1x16xf32>,
      %swap3A_161 = vector.shape_cast %swap3A_160 : vector<1x16xf32> to vector<16xf32>
      %swap3A_162 = vector.shape_cast %add3A_157 : vector<16xf32> to vector<1x16xf32>
      tpu.vector_store %arg11[%swap3A_158, %swap3A_159], %swap3A_162 {strides = array<i32>} : memref<32x128xf32, #tpu.memory_space<vmem>>, vector<1x16xf32>,
      %get3A_163 = arith.index_cast %scan3A_87 : i32 to index
      %get3A_164 = arith.constant 64 : index
      %get3A_165 = tpu.vector_load %arg11[%get3A_163, %get3A_164] {strides = array<i32>} : memref<32x128xf32, #tpu.memory_space<vmem>>, vector<1x16xf32>,
      %get3A_166 = vector.shape_cast %get3A_165 : vector<1x16xf32> to vector<16xf32>
      %get3A_167 = arith.index_cast %scan3A_87 : i32 to index
      %get3A_168 = arith.constant 64 : index
      %get3A_169 = tpu.vector_load %arg12[%get3A_167, %get3A_168] {strides = array<i32>} : memref<32x128xf32, #tpu.memory_space<vmem>>, vector<1x16xf32>,
      %get3A_170 = vector.shape_cast %get3A_169 : vector<1x16xf32> to vector<16xf32>
      %get3A_171 = arith.index_cast %scan3A_87 : i32 to index
      %get3A_172 = arith.constant 64 : index
      %get3A_173 = tpu.vector_load %arg10[%get3A_171, %get3A_172] {strides = array<i32>} : memref<32x128xf32, #tpu.memory_space<vmem>>, vector<1x16xf32>,
      %get3A_174 = vector.shape_cast %get3A_173 : vector<1x16xf32> to vector<16xf32>
      %mul3A_175 = arith.mulf %get3A_170, %get3A_174 : vector<16xf32>
      %add3A_176 = arith.addf %get3A_166, %mul3A_175 : vector<16xf32>
      %swap3A_177 = arith.index_cast %scan3A_87 : i32 to index
      %swap3A_178 = arith.constant 64 : index
      %swap3A_179 = tpu.vector_load %arg11[%swap3A_177, %swap3A_178] {strides = array<i32>} : memref<32x128xf32, #tpu.memory_space<vmem>>, vector<1x16xf32>,
      %swap3A_180 = vector.shape_cast %swap3A_179 : vector<1x16xf32> to vector<16xf32>
      %swap3A_181 = vector.shape_cast %add3A_176 : vector<16xf32> to vector<1x16xf32>
      tpu.vector_store %arg11[%swap3A_177, %swap3A_178], %swap3A_181 {strides = array<i32>} : memref<32x128xf32, #tpu.memory_space<vmem>>, vector<1x16xf32>,
      %get3A_182 = arith.index_cast %scan3A_87 : i32 to index
      %get3A_183 = arith.constant 80 : index
      %get3A_184 = tpu.vector_load %arg11[%get3A_182, %get3A_183] {strides = array<i32>} : memref<32x128xf32, #tpu.memory_space<vmem>>, vector<1x16xf32>,
      %get3A_185 = vector.shape_cast %get3A_184 : vector<1x16xf32> to vector<16xf32>
      %get3A_186 = arith.index_cast %scan3A_87 : i32 to index
      %get3A_187 = arith.constant 80 : index
      %get3A_188 = tpu.vector_load %arg12[%get3A_186, %get3A_187] {strides = array<i32>} : memref<32x128xf32, #tpu.memory_space<vmem>>, vector<1x16xf32>,
      %get3A_189 = vector.shape_cast %get3A_188 : vector<1x16xf32> to vector<16xf32>
      %get3A_190 = arith.index_cast %scan3A_87 : i32 to index
      %get3A_191 = arith.constant 80 : index
      %get3A_192 = tpu.vector_load %arg10[%get3A_190, %get3A_191] {strides = array<i32>} : memref<32x128xf32, #tpu.memory_space<vmem>>, vector<1x16xf32>,
      %get3A_193 = vector.shape_cast %get3A_192 : vector<1x16xf32> to vector<16xf32>
      %mul3A_194 = arith.mulf %get3A_189, %get3A_193 : vector<16xf32>
      %add3A_195 = arith.addf %get3A_185, %mul3A_194 : vector<16xf32>
      %swap3A_196 = arith.index_cast %scan3A_87 : i32 to index
      %swap3A_197 = arith.constant 80 : index
      %swap3A_198 = tpu.vector_load %arg11[%swap3A_196, %swap3A_197] {strides = array<i32>} : memref<32x128xf32, #tpu.memory_space<vmem>>, vector<1x16xf32>,
      %swap3A_199 = vector.shape_cast %swap3A_198 : vector<1x16xf32> to vector<16xf32>
      %swap3A_200 = vector.shape_cast %add3A_195 : vector<16xf32> to vector<1x16xf32>
      tpu.vector_store %arg11[%swap3A_196, %swap3A_197], %swap3A_200 {strides = array<i32>} : memref<32x128xf32, #tpu.memory_space<vmem>>, vector<1x16xf32>,
      %get3A_201 = arith.index_cast %scan3A_87 : i32 to index
      %get3A_202 = arith.constant 96 : index
      %get3A_203 = tpu.vector_load %arg11[%get3A_201, %get3A_202] {strides = array<i32>} : memref<32x128xf32, #tpu.memory_space<vmem>>, vector<1x16xf32>,
      %get3A_204 = vector.shape_cast %get3A_203 : vector<1x16xf32> to vector<16xf32>
      %get3A_205 = arith.index_cast %scan3A_87 : i32 to index
      %get3A_206 = arith.constant 96 : index
      %get3A_207 = tpu.vector_load %arg12[%get3A_205, %get3A_206] {strides = array<i32>} : memref<32x128xf32, #tpu.memory_space<vmem>>, vector<1x16xf32>,
      %get3A_208 = vector.shape_cast %get3A_207 : vector<1x16xf32> to vector<16xf32>
      %get3A_209 = arith.index_cast %scan3A_87 : i32 to index
      %get3A_210 = arith.constant 96 : index
      %get3A_211 = tpu.vector_load %arg10[%get3A_209, %get3A_210] {strides = array<i32>} : memref<32x128xf32, #tpu.memory_space<vmem>>, vector<1x16xf32>,
      %get3A_212 = vector.shape_cast %get3A_211 : vector<1x16xf32> to vector<16xf32>
      %mul3A_213 = arith.mulf %get3A_208, %get3A_212 : vector<16xf32>
      %add3A_214 = arith.addf %get3A_204, %mul3A_213 : vector<16xf32>
      %swap3A_215 = arith.index_cast %scan3A_87 : i32 to index
      %swap3A_216 = arith.constant 96 : index
      %swap3A_217 = tpu.vector_load %arg11[%swap3A_215, %swap3A_216] {strides = array<i32>} : memref<32x128xf32, #tpu.memory_space<vmem>>, vector<1x16xf32>,
      %swap3A_218 = vector.shape_cast %swap3A_217 : vector<1x16xf32> to vector<16xf32>
      %swap3A_219 = vector.shape_cast %add3A_214 : vector<16xf32> to vector<1x16xf32>
      tpu.vector_store %arg11[%swap3A_215, %swap3A_216], %swap3A_219 {strides = array<i32>} : memref<32x128xf32, #tpu.memory_space<vmem>>, vector<1x16xf32>,
      %get3A_220 = arith.index_cast %scan3A_87 : i32 to index
      %get3A_221 = arith.constant 112 : index
      %get3A_222 = tpu.vector_load %arg11[%get3A_220, %get3A_221] {strides = array<i32>} : memref<32x128xf32, #tpu.memory_space<vmem>>, vector<1x16xf32>,
      %get3A_223 = vector.shape_cast %get3A_222 : vector<1x16xf32> to vector<16xf32>
      %get3A_224 = arith.index_cast %scan3A_87 : i32 to index
      %get3A_225 = arith.constant 112 : index
      %get3A_226 = tpu.vector_load %arg12[%get3A_224, %get3A_225] {strides = array<i32>} : memref<32x128xf32, #tpu.memory_space<vmem>>, vector<1x16xf32>,
      %get3A_227 = vector.shape_cast %get3A_226 : vector<1x16xf32> to vector<16xf32>
      %get3A_228 = arith.index_cast %scan3A_87 : i32 to index
      %get3A_229 = arith.constant 112 : index
      %get3A_230 = tpu.vector_load %arg10[%get3A_228, %get3A_229] {strides = array<i32>} : memref<32x128xf32, #tpu.memory_space<vmem>>, vector<1x16xf32>,
      %get3A_231 = vector.shape_cast %get3A_230 : vector<1x16xf32> to vector<16xf32>
      %mul3A_232 = arith.mulf %get3A_227, %get3A_231 : vector<16xf32>
      %add3A_233 = arith.addf %get3A_223, %mul3A_232 : vector<16xf32>
      %swap3A_234 = arith.index_cast %scan3A_87 : i32 to index
      %swap3A_235 = arith.constant 112 : index
      %swap3A_236 = tpu.vector_load %arg11[%swap3A_234, %swap3A_235] {strides = array<i32>} : memref<32x128xf32, #tpu.memory_space<vmem>>, vector<1x16xf32>,
      %swap3A_237 = vector.shape_cast %swap3A_236 : vector<1x16xf32> to vector<16xf32>
      %swap3A_238 = vector.shape_cast %add3A_233 : vector<16xf32> to vector<1x16xf32>
      tpu.vector_store %arg11[%swap3A_234, %swap3A_235], %swap3A_238 {strides = array<i32>} : memref<32x128xf32, #tpu.memory_space<vmem>>, vector<1x16xf32>,
      %scan3A_239 = arith.constant 0 : i32
      scf.yield %scan3A_239 : i32
    }
    %scan3A_84 = arith.constant 32 : i32
    %mul3A_85 = arith.constant 32 : i32
    %mul3A_86 = arith.muli %select_n3A, %mul3A_85 : i32
    "tpu.region"() ({
      %run_scoped3A = tpu.sem_alloc : memref<!tpu.dma_semaphore, #tpu.memory_space<semaphore_mem>>
      %dma_start3A_87 = arith.constant 0 : i32
      %dma_start3A_88 = tpu.memref_slice %arg6[%select_n3A_30, %mul3A_86, %dma_start3A_87] : memref<4x256x128xf32, #tpu.memory_space<hbm>> -> memref<1x32x128xf32, #tpu.memory_space<hbm>>
      %dma_start3A_89 = tpu.memref_squeeze %dma_start3A_88 : memref<1x32x128xf32, #tpu.memory_space<hbm>> -> memref<32x128xf32, #tpu.memory_space<hbm>>
      %dma_start3A_90 = arith.constant 0 : i32
      %dma_start3A_91 = tpu.memref_slice %arg6[%select_n3A_30, %mul3A_86, %dma_start3A_90] : memref<4x256x128xf32, #tpu.memory_space<hbm>> -> memref<1x32x128xf32, #tpu.memory_space<hbm>>
      %dma_start3A_92 = tpu.memref_squeeze %dma_start3A_91 : memref<1x32x128xf32, #tpu.memory_space<hbm>> -> memref<32x128xf32, #tpu.memory_space<hbm>>
      tpu.enqueue_dma source(%arg11 : memref<32x128xf32, #tpu.memory_space<vmem>>) target(%dma_start3A_92 : memref<32x128xf32, #tpu.memory_space<hbm>>) target_semaphore(%run_scoped3A : memref<!tpu.dma_semaphore, #tpu.memory_space<semaphore_mem>>)
      %dma_wait3A = arith.constant 0 : i32
      %dma_wait3A_93 = tpu.memref_slice %arg6[%select_n3A_30, %mul3A_86, %dma_wait3A] : memref<4x256x128xf32, #tpu.memory_space<hbm>> -> memref<1x32x128xf32, #tpu.memory_space<hbm>>
      %dma_wait3A_94 = tpu.memref_squeeze %dma_wait3A_93 : memref<1x32x128xf32, #tpu.memory_space<hbm>> -> memref<32x128xf32, #tpu.memory_space<hbm>>
      %dma_wait3A_95 = arith.constant 0 : i32
      %dma_wait3A_96 = tpu.memref_slice %arg6[%select_n3A_30, %mul3A_86, %dma_wait3A_95] : memref<4x256x128xf32, #tpu.memory_space<hbm>> -> memref<1x32x128xf32, #tpu.memory_space<hbm>>
      %dma_wait3A_97 = tpu.memref_squeeze %dma_wait3A_96 : memref<1x32x128xf32, #tpu.memory_space<hbm>> -> memref<32x128xf32, #tpu.memory_space<hbm>>
      tpu.wait_dma2 semaphore(%run_scoped3A : memref<!tpu.dma_semaphore, #tpu.memory_space<semaphore_mem>>) src(%arg11 : memref<32x128xf32, #tpu.memory_space<vmem>>) dst(%dma_wait3A_97 : memref<32x128xf32, #tpu.memory_space<hbm>>)
      tpu.yield
    }) : () -> ()
    return
  }
}

</mosaic_0001>

<sc_bundles>
// kernel: _sample_point_sc.3.cloned.1.call-start
scs
__scs_entry_jumppad:
0x0: {  	(pc) =	sbr.rel $0x88, $3  }
0x1: {  	(tag) =	ssettag $0x0;
	lr =	simm.s32 $0x1  }
0x2: {  	[smem:$0x3F9D] =	sst lr;
	_ =	strace $0xD0000000  }
0x3: {  	_ = 	snop  }
0x4: {  	_ = 	snop  }
0x5: {  	_ = 	snop  }
0x6: {  	_ = 	snop  }
0x7: {  	_ = 	snop  }
__scs_overlays_trampoline_lowered:
0x8: {  	[smem:$0x3FAC] =	sst s0  }
0x9: {  	[smem:$0x3FAD] =	sst s1  }
0xa: {  	[smem:$0x3FAE] =	sst s2  }
0xb: {  	[smem:$0x3FAF] =	sst s3  }
0xc: {  	[smem:$0x3FB0] =	sst s4  }
0xd: {  	[smem:$0x3FB1] =	sst s5  }
0xe: {  	[smem:$0x3FB2] =	sst s6  }
0xf: {  	[smem:$0x3FB3] =	sst s7  }
0x10: {  	[smem:$0x3FB4] =	sst s8  }
0x11: {  	[smem:$0x3FB5] =	sst s9;
	s0 =	simm.s32 @!p0 $0x0  }
0x12: {  	s1 =	sld [smem:$0x3F9B];
	s0 =	simm.s32 @p0 $0x1  }
0x13: {  	[smem:$0x3FB6] =	sst s0;
	s0 =	simm.s32 @!p1 $0x0  }
0x14: {  	s2 =	sld [smem:$0x3F9A];
	s0 =	simm.s32 @p1 $0x1  }
0x15: {  	[smem:$0x3FB7] =	sst s0;
	s0 =	simm.s32 @!p2 $0x0  }
0x16: {  	s3 =	sld [smem:$0x3FDB];
	s0 =	simm.s32 @p2 $0x1  }
0x17: {  	s4 =	simm.s32 $0x1BF5;
	[smem:$0x3FB9] =	sst s0  }
0x18: {  	s0 =	sld [smem:$0x3F9C];
	_ =	swait.ge [sflag:s4], $0x0  }
0x19: {  	s7 =	sld [smem:$0x3F9D]  }
0x1a: {  	s8 =	sadd.s32 $0xFFFFE003, lr  }
0x1b: {  	s9 =	sadd.s32 $0xFFFFFEF7, lr;
	s5 =	simm.s32 $0xFFFFFFFF;
	p2 =	slt.u32 s8, $0xFFFFF086  }
0x1c: {  	p1 =	slt.u32 s9, $0xF7A;
	s5 =	simm.s32 @!p2 $0x0  }
0x1d: {  	s5 =	simm.s32 @p1 $0x1;
	p0 =	seq.s32 s7, s2  }
0x1e: {  	s7 =	smul.u32 @!p0 $0xF7A, s2;
	p2 =	seq.s32 @!p0 s5, $0x0  }
0x1f: {  	s9 =	smul.u32 $0xF7A, s1;
	s8 =	simm.s32 @!p0 $0x1BF5;
	p2 =	por !p2, p0  }
0x20: {  	[sflag:s8] =	ssyncset.s32 @!p0 $0xFFFFF086;
	s6 =	sadd.s32 @!p0 s3, s7;
	s7 =	simm.s32 @!p0 $0x108  }
0x21: {  	s3 =	sadd.s32 s3, s9;
	s6 =	sadd.s32 @!p0 $0x88, s6;
	s7 =	simm.s32 @p2 $0x1082  }
0x22: {  	[simem:s7], [sflag:s8] =	dma.local @!p0 [hbm:s6], $0xF7A  }
0x23: {  	s9 =	sor.u32 $0xD0000000, s2;
	s6 =	simm.s32 $0x108;
	_ =	swait.ge @!p0 [sflag:s8], $0x0  }
0x24: {  	s3 =	sadd.s32 $0x88, s3;
	s6 =	simm.s32 @!p1 $0x1082;
	[sflag:s4] =	ssyncset.s32 $0xFFFFF086  }
0x25: {  	[simem:s6], [sflag:s4] =	dma.local [hbm:s3], $0xF7A  }
0x26: {  	[smem:$0x3F9D] =	sst s1;
	(tag) =	ssettag s2;
	_ =	strace s9  }
0x27: {  	s1 =	sld [smem:$0x3FAD]  }
0x28: {  	s2 =	sld [smem:$0x3FAE]  }
0x29: {  	s4 =	sld [smem:$0x3FB0]  }
0x2a: {  	p0 =	seq.s32 s5, $0x0;
	s5 =	sld [smem:$0x3FB1]  }
0x2b: {  	s6 =	sld [smem:$0x3FB2]  }
0x2c: {  	s7 =	sld [smem:$0x3FB3]  }
0x2d: {  	s3 =	simm.s32 $0x108;
	s8 =	sld [smem:$0x3FB4]  }
0x2e: {  	s3 =	simm.s32 @!p0 $0x1082;
	s9 =	sld [smem:$0x3FB5]  }
0x2f: {  	lr =	sadd.s32 s0, s3;
	s0 =	sld [smem:$0x3FAC]  }
0x30: {  	s3 =	sld [smem:$0x3FAF]  }
0x31: {  	[smem:$0x3FB8] =	sst s10  }
0x32: {  	s10 =	sld [smem:$0x3FB6];
	_ =	sdelay $0x3  }
0x33: {  	p0 =	seq.s32 s10, $0x1;
	s10 =	sld [smem:$0x3FB8];
	_ =	sdelay $0x3  }
0x34: {  	[smem:$0x3FB8] =	sst s10  }
0x35: {  	s10 =	sld [smem:$0x3FB7];
	_ =	sdelay $0x3  }
0x36: {  	p1 =	seq.s32 s10, $0x1;
	s10 =	sld [smem:$0x3FB8];
	_ =	sdelay $0x3  }
0x37: {  	[smem:$0x3FB8] =	sst s10  }
0x38: {  	s10 =	sld [smem:$0x3FB9]  }
0x39: {  	_ = 	snop;
	(pc) =	sbr.ind lr, $3  }
0x3a: {  	_ = 	snop  }
0x3b: {  	_ = 	snop  }
0x3c: {  	p2 =	seq.s32 s10, $0x1;
	s10 =	sld [smem:$0x3FB8]  }
0x3d: {  	_ =	shalt  }
0x3e: {  	_ =	shalt  }
0x3f: {  	_ =	shalt  }
0x40: {  	_ =	shalt  }
0x41: {  	_ =	shalt  }
0x42: {  	_ =	shalt  }
0x43: {  	_ =	shalt  }
0x44: {  	_ =	shalt  }
0x45: {  	_ =	shalt  }
0x46: {  	_ =	shalt  }
0x47: {  	_ =	shalt  }
0x48: {  	_ =	shalt  }
0x49: {  	_ =	shalt  }
0x4a: {  	_ =	shalt  }
0x4b: {  	_ =	shalt  }
0x4c: {  	_ =	shalt  }
0x4d: {  	_ =	shalt  }
0x4e: {  	_ =	shalt  }
0x4f: {  	_ =	shalt  }
0x50: {  	_ =	shalt  }
0x51: {  	_ =	shalt  }
0x52: {  	_ =	shalt  }
0x53: {  	_ =	shalt  }
0x54: {  	_ =	shalt  }
0x55: {  	_ =	shalt  }
0x56: {  	_ =	shalt  }
0x57: {  	_ =	shalt  }
0x58: {  	_ =	shalt  }
0x59: {  	_ =	shalt  }
0x5a: {  	_ =	shalt  }
0x5b: {  	_ =	shalt  }
0x5c: {  	_ =	shalt  }
0x5d: {  	_ =	shalt  }
0x5e: {  	_ =	shalt  }
0x5f: {  	_ =	shalt  }
0x60: {  	_ =	shalt  }
0x61: {  	_ =	shalt  }
0x62: {  	_ =	shalt  }
0x63: {  	_ =	shalt  }
0x64: {  	_ =	shalt  }
0x65: {  	_ =	shalt  }
0x66: {  	_ =	shalt  }
0x67: {  	_ =	shalt  }
0x68: {  	_ =	shalt  }
0x69: {  	_ =	shalt  }
0x6a: {  	_ =	shalt  }
0x6b: {  	_ =	shalt  }
0x6c: {  	_ =	shalt  }
0x6d: {  	_ =	shalt  }
0x6e: {  	_ =	shalt  }
0x6f: {  	_ =	shalt  }
0x70: {  	_ =	shalt  }
0x71: {  	_ =	shalt  }
0x72: {  	_ =	shalt  }
0x73: {  	_ =	shalt  }
0x74: {  	_ =	shalt  }
0x75: {  	_ =	shalt  }
0x76: {  	_ =	shalt  }
0x77: {  	_ =	shalt  }
0x78: {  	_ =	shalt  }
0x79: {  	_ =	shalt  }
0x7a: {  	_ =	shalt  }
0x7b: {  	_ =	shalt  }
0x7c: {  	_ =	shalt  }
0x7d: {  	_ =	shalt  }
0x7e: {  	_ =	shalt  }
0x7f: {  	_ =	shalt  }
0x80: {  	_ =	shalt  }
0x81: {  	_ =	shalt  }
0x82: {  	_ =	shalt  }
0x83: {  	_ =	shalt  }
0x84: {  	_ =	shalt  }
0x85: {  	_ =	shalt  }
0x86: {  	_ =	shalt  }
0x87: {  	_ =	shalt  }
.Lfunc_end0:
.L_simem_size_0:
called_computation_lowered:
.L_overlay_start_0:
0x88: {  	s2 =	sld [smem:$0x3FD9]  }
0x89: {  	s3 =	sld [smem:$0x3FFE];
	_ =	sdelay $0x1  }
0x8a: {  	s1 =	srdreg.scid  }
0x8b: {  	s0 =	sand.u32 $0x1, s1  }
0x8c: {  	s18 =	sshll.u32 s0, $0xA;
	s2 =	sadd.s32 s3, s2  }
0x8d: {  	s2 =	sadd.s32 s2, s18  }
0x8e: {  	[smem:$0x3FC4] =	sst s2  }
0x8f: {  	_ = 	snop  }
0x90: {  	s2 =	sld [smem:$0x3FC9]  }
0x91: {  	s19 =	sld [smem:$0x3FC8]  }
0x92: {  	s4 =	sld [smem:$0x3FC7]  }
0x93: {  	s5 =	sld [smem:$0x3FC6]  }
0x94: {  	s6 =	sld [smem:$0x3FD0];
	(tm) =	ssettm $0x1  }
0x95: {  	s7 =	sld [smem:$0x3FFB];
	_ =	sdelay $0x3  }
0x96: {  	_ =	strace s7  }
0x97: {  	s7 =	sld [smem:$0x3FFC];
	_ =	sdelay $0x3  }
0x98: {  	_ =	strace s7  }
0x99: {  	s7 =	sld [smem:$0x3FFD];
	_ =	sdelay $0x3  }
0x9a: {  	_ =	strace s7  }
0x9b: {  	_ =	strace $0x8FFFFFFF  }
0x9c: {  	s20 =	sld [smem:$0x3FDB];
	_ =	sdelay $0x1  }
0x9d: {  	s8 =	simm.s32 $_scs_section_size  }
0x9e: {  	s9 =	simm.s32 $_size__tile_overlayer_lowered;
	s10 =	simm.s32 $_tile_overlayer_lowered  }
0x9f: {  	s23 =	simm.s32 $0x1BFF;
	s22 =	sshll.u32 s10, $0x1;
	s7 =	sadd.s32 s8, s20  }
0xa0: {  	s11 =	simm.s32 $0x0;
	s21 =	sshll.u32 s9, $0x1;
	s9 =	sadd.s32 s22, s7  }
0xa1: {  	[timem:s11], [sflag:s23] =	dma.local [hbm:s9], s21  }
0xa2: {  	_ =	swait.ge [sflag:s23], s21  }
0xa3: {  	s8 =	ssub.s32 $0x0, s21;
	[sflag:s23] =	ssyncset.done $0x0  }
0xa4: {  	[sflag:s23] =	ssyncadd.s32 s8;
	_ =	sdelay $0x1  }
0xa5: {  	s24 =	simm.s32 $0x1B8B  }
0xa6: {  	_ =	swait.ge [sflag:s24], $0x1  }
0xa7: {  	[sflag:s24] =	ssyncset.done $0x0  }
0xa8: {  	s25 =	simm.s32 $0x1B8E;
	[sflag:s24] =	ssyncadd.s32 $0xFFFFFFFF  }
0xa9: {  	s26 =	simm.s32 $execute0_lowered;
	[smem:$0x3FD2] =	sst s25  }
0xaa: {  	s8 =	sshll.u32 s26, $0x1;
	_ =	strace $0x80000046;
	[dreg:$0x1] =	wrdreg $0xFFFFFFFF  }
0xab: {  	s28 =	simm.s32 $_size_execute0_lowered;
	s7 =	sadd.s32 s7, s8;
	[dreg:$0x0] =	wrdreg $0x0  }
0xac: {  	s8 =	sshll.u32 s28, $0x1;
	[dreg:$0x2] =	wrdreg s7  }
0xad: {  	[dreg:$0x3] =	wrdreg s8  }
0xae: {  	[dreg:$0x4] =	wrdreg $0xC0  }
0xaf: {  	_ =	task [dreg:s11], $0x5FFFF  }
0xb0: {  	[dreg:$0x1] =	wrdreg $0xFFFFFFFF  }
0xb1: {  	[dreg:$0x0] =	wrdreg $0x60  }
0xb2: {  	[dreg:$0x2] =	wrdreg s2  }
0xb3: {  	[dreg:$0x3] =	wrdreg s19  }
0xb4: {  	[dreg:$0x4] =	wrdreg s4  }
0xb5: {  	[dreg:$0x5] =	wrdreg s5  }
0xb6: {  	[dreg:$0x6] =	wrdreg s6  }
0xb7: {  	[dreg:$0x7] =	wrdreg $0x9  }
0xb8: {  	_ =	task.clear_ibuf [dreg:s11], $0x8FFFF;
	_ =	strace $0x90000046  }
0xb9: {  	s29 =	simm.s32 $0x9;
	_ =	strace $0x80000048  }
0xba: {  	_ =	swait.ge [sflag:s29], $0x1  }
0xbb: {  	[sflag:s29] =	ssyncadd.s32 $0xFFFFFFFF  }
0xbc: {  	_ =	strace $0x90000048  }
0xbd: {  	_ =	sfence  }
0xbe: {  	s30 =	sld [smem:$0x0];
	_ =	sdelay $0x2  }
0xbf: {  	s31 =	sshll.u32 s1, $0xD;
	s1 =	sshrl.u32 s1, $0x2  }
0xc0: {  	s3 =	sand.u32 $0x4000, s31;
	s1 =	sadd.s32 s1, s30  }
0xc1: {  	s0 =	sor.u32 s3, s0;
	s1 =	sshll.u32 s1, $0x11  }
0xc2: {  	s0 =	sor.u32 s1, s0  }
0xc3: {  	s0 =	sadd.s32 $0x8F2B, s0  }
0xc4: {  	[sflag:s0] =	ssyncadd.remote.s32 $0x1  }
0xc5: {  	_ =	sfence.sel $0xFFFF  }
0xc6: {  	[dreg:$0x0] =	wrdreg $0xFFFFFFFF;
	(pc) =	sbr.abs _section_cstart, $3  }
0xc7: {  	[dreg:$0x1] =	wrdreg $0xFFFFFFFF  }
0xc8: {  	_ =	task.clear_ibuf [dreg:s11], $0x2FFFF;
	_ =	strace $0x9FFFFFFF  }
0xc9: {  	(tm) =	ssettm $0x7FFFFFFF  }
tec
execute0_lowered:
.L_overlay_start_1:
0x0: {  	(tag) =	ssettag $0x1  }
0x1: {  	s1 =	rddreg [dreg:$0x0]  }
0x2: {  	s2 =	rddreg [dreg:$0x1]  }
0x3: {  	s6 =	rddreg [dreg:$0x2]  }
0x4: {  	s5 =	rddreg [dreg:$0x3]  }
0x5: {  	s8 =	rddreg [dreg:$0x4];
	s3 =	srdreg.scid  }
0x6: {  	s0 =	rddreg [dreg:$0x5];
	s4 =	simm.s32 $0x0;
	s16 =	simm.s32 $0x10080  }
0x7: {  	s17 =	simm.s32 $0x80;
	s18 =	simm.s32 $0x8080;
	s19 =	simm.s32 $0x1  }
0x8: {  	s20 =	simm.s32 $0x2;
	s21 =	simm.s32 $0x11080;
	s22 =	simm.s32 $0x0  }
0x9: {  	s7 =	sand.u32 $0x1, s3;
	[smem:$0x7FF] =	sst s4;
	s3 =	stileid.u32  }
0xa: {  	s9 =	ssub.s32 $0x2, s7;
	_ =	strace $0x80000047;
	s11 =	sshll.u32 s3, $0x1  }
0xb: {  	s25 =	sshrl.u32 s3, $0x1;
	s10 =	sshrl.u32 s9, $0x1;
	s26 =	sand.u32 $0x2, s11  }
0xc: {  	s28 =	sshll.u32 s25, $0x12;
	s29 =	sshll.u32 s25, $0x4;
	s30 =	sshll.u32 s25, $0xC  }
0xd: {  	s12 =	ssub.s32 s9, s10;
	s10 =	sor.u32 s7, s26;
	s5 =	sadd.s32 s29, s5  }
0xe: {  	s6 =	sadd.s32 s30, s6;
	s9 =	sshll.u32 s25, $0x9;
	s13 =	sshll.u32 s10, $0x10  }
0xf: {  	s5 =	sadd.s32 $0x380, s5;
	s6 =	sadd.s32 $0x380, s6;
	s14 =	sshll.u32 s10, $0xC  }
0x10: {  	s15 =	sadd.s32 s8, s9;
	s9 =	sshll.u32 s10, $0x4;
	s11 =	smax.u32 s12, $0x1  }
0x11: {  	s13 =	sor.u32 s28, s13;
	s10 =	sadd.s32 s14, s15;
	s14 =	simm.s32 $0x400  }
0x12: {  	s15 =	simm.s32 $0x2000;
	s31 =	sor.u32 $0x380, s13;
	s12 =	sor.u32 $0x4000, s13  }
0x13: {  	v0 =	vimm.f32 $0.0e+00;
	s13 =	simm.s32 $0x3;
	s7 =	sadd.s32 s1, s31;
	s8 =	sadd.s32 s2, s31  }
.LBB2_1:
0x14: {  	[tilespmem:s4], [sflag:$0x3] =	stream.linear.gather [hbm4b:s5+s4], $0x80, $0x38;
	[tilespmem:$0x13080] =	vst v63  }
0x15: {  	_ =	swait.ge [sflag:s13], $0x80  }
0x16: {  	[sflag:s13] =	ssyncset.done $0x0  }
0x17: {  	[sflag:s13] =	ssyncadd.s32 $0xFFFFFF80  }
0x18: {  	[tilespmem:s16], [sflag:$0x3] =	stream.strided.gather [hbm4b:s6+s14], $0x1000, s15, s14, $0x38;
	[tilespmem:$0x13080] =	vst v63  }
0x19: {  	_ =	swait.ge [sflag:s13], $0x1000  }
0x1a: {  	[sflag:s13] =	ssyncset.done $0x0  }
0x1b: {  	s23 =	simm.s32 $0x0;
	s24 =	simm.s32 $0x200;
	[sflag:s13] =	ssyncadd.s32 $0xFFFFF000  }
.LBB2_2:
0x1c: {  	p0 =	sne.s32 s24, $0x3E00;
	[tilespmem:s23+$0x120F0] =	vst v0  }
0x1d: {  	[tilespmem:s23+$0x11080] =	vst v0  }
0x1e: {  	[tilespmem:s23+$0x12080] =	vst v0  }
0x1f: {  	[tilespmem:s23+$0x11090] =	vst v0  }
0x20: {  	[tilespmem:s23+$0x12090] =	vst v0  }
0x21: {  	[tilespmem:s23+$0x110A0] =	vst v0  }
0x22: {  	[tilespmem:s23+$0x120A0] =	vst v0  }
0x23: {  	[tilespmem:s23+$0x110B0] =	vst v0  }
0x24: {  	[tilespmem:s23+$0x120B0] =	vst v0  }
0x25: {  	[tilespmem:s23+$0x110C0] =	vst v0  }
0x26: {  	[tilespmem:s23+$0x120C0] =	vst v0  }
.Ltmp0:
0x27: {  	[tilespmem:s23+$0x110D0] =	vst v0;
	(pc) =	sbr.rel @p0 .LBB2_2-.Ltmp0, $4  }
0x28: {  	[tilespmem:s23+$0x120D0] =	vst v0  }
0x29: {  	[tilespmem:s23+$0x110E0] =	vst v0  }
0x2a: {  	[tilespmem:s23+$0x120E0] =	vst v0  }
0x2b: {  	[tilespmem:s23+$0x110F0] =	vst v0;
	s23 =	sshra.s32 s24, $0x2;
	s24 =	sadd.s32 $0x200, s24  }
0x2c: {  	[tilespmem:s23+$0x120F0] =	vst v0  }
0x2d: {  	[tilespmem:s23+$0x11080] =	vst v0  }
0x2e: {  	[tilespmem:s23+$0x12080] =	vst v0  }
0x2f: {  	[tilespmem:s23+$0x11090] =	vst v0  }
0x30: {  	[tilespmem:s23+$0x12090] =	vst v0  }
0x31: {  	[tilespmem:s23+$0x110A0] =	vst v0  }
0x32: {  	[tilespmem:s23+$0x120A0] =	vst v0  }
0x33: {  	[tilespmem:s23+$0x110B0] =	vst v0  }
0x34: {  	[tilespmem:s23+$0x120B0] =	vst v0  }
0x35: {  	[tilespmem:s23+$0x110C0] =	vst v0  }
0x36: {  	[tilespmem:s23+$0x120C0] =	vst v0  }
0x37: {  	[tilespmem:s23+$0x110D0] =	vst v0  }
0x38: {  	[tilespmem:s23+$0x120D0] =	vst v0  }
0x39: {  	[tilespmem:s23+$0x110E0] =	vst v0  }
0x3a: {  	[tilespmem:s23+$0x120E0] =	vst v0  }
0x3b: {  	[tilespmem:s23+$0x110F0] =	vst v0  }
0x3c: {  	[tilespmem:s17], [sflag:$0x1] =	stream.strided.gather [hbm4b:s7+s14], $0x4000, s15, s14, $0x38;
	[tilespmem:$0x13080] =	vst v63  }
0x3d: {  	s23 =	simm.s32 $0x0  }
0x3e: {  	[tilespmem:s18], [sflag:$0x2] =	stream.strided.gather [hbm4b:s8+s14], $0x4000, s15, s14, $0x38;
	[tilespmem:$0x13080] =	vst v63  }
.LBB2_4:
0x3f: {  	_ =	swait.ge [sflag:s19], $0x4000;
	p0 =	seq.s32 s23, $0x3  }
0x40: {  	[sflag:s19] =	ssyncset.done $0x0;
	s24 =	sshll.u32 @!p0 s23, $0xE  }
0x41: {  	s29 =	simm.s32 @!p0 $0x400;
	s30 =	simm.s32 @!p0 $0x2000;
	[sflag:s19] =	ssyncadd.s32 $0xFFFFC000  }
0x42: {  	s25 =	sand.u32 @!p0 $0x4000, s24;
	s24 =	sadd.s32 @!p0 s12, s24;
	_ =	swait.ge [sflag:s20], $0x4000  }
0x43: {  	s26 =	sxor.u32 @!p0 $0x4080, s25;
	s24 =	sor.u32 @!p0 $0x380, s24;
	[sflag:s20] =	ssyncset.done $0x0  }
0x44: {  	s28 =	sadd.s32 @!p0 s1, s24;
	s24 =	sadd.s32 @!p0 s2, s24;
	[sflag:s20] =	ssyncadd.s32 $0xFFFFC000  }
0x45: {  	[tilespmem:s26], [sflag:$0x1] =	stream.strided.gather @!p0 [hbm4b:s28+s29], $0x4000, s30, s29, $0x38;
	[tilespmem:$0x13080] =	vst v63  }
0x46: {  	s26 =	sxor.u32 @!p0 $0xC080, s25;
	s28 =	sshll.u32 s23, $0x2;
	s25 =	simm.s32 @p0 $0x4000  }
0x47: {  	[tilespmem:s26], [sflag:$0x2] =	stream.strided.gather @!p0 [hbm4b:s24+s29], $0x4000, s30, s29, $0x38;
	[tilespmem:$0x13080] =	vst v63  }
0x48: {  	s31 =	sadd.s32 $0x2080, s25;
	s25 =	sadd.s32 $0xA080, s25;
	s24 =	sadd.s32 s9, s28  }
0x49: {  	v5 =	vmov s31;
	v6 =	vmov s25;
	s29 =	sor.u32 $0x1, s24;
	s30 =	sor.u32 $0x2, s24;
	v1 =	vmov s24;
	s24 =	sor.u32 $0x3, s24  }
0x4a: {  	v2 =	vmov s29;
	v3 =	vmov s30;
	v4 =	vmov s24;
	s24 =	simm.s32 $0x0  }
.LBB2_5:
0x4b: {  	v7 =	vld [tilespmem:$0x0];
	s25 =	sshra.s32 s24, $0x2  }
0x4c: {  	v8 =	vld [tilespmem:s25+$0x11080]  }
0x4d: {  	v9 =	vld [tilespmem:s25+$0x12080]  }
0x4e: {  	v10 =	vld.idx.msk [tilespmem:v5+s25+$0xFFFFE000 ss:$0x1], $0xffff  }
0x4f: {  	v11 =	vld.idx.msk [tilespmem:v6+s25+$0xFFFFE000 ss:$0x1], $0xffff  }
0x50: {  	v12 =	vld.idx.msk [tilespmem:v5+s25+$0xFFFFF000 ss:$0x1], $0xffff  }
0x51: {  	v13 =	vld.idx.msk [tilespmem:v6+s25+$0xFFFFF000 ss:$0x1], $0xffff  }
0x52: {  	v14 =	vld.idx.msk [tilespmem:v5+s25+$0x0 ss:$0x1], $0xffff  }
0x53: {  	v15 =	vld.idx.msk [tilespmem:v6+s25+$0x0 ss:$0x1], $0xffff  }
0x54: {  	v16 =	vld.idx.msk [tilespmem:v5+s25+$0x1000 ss:$0x1], $0xffff  }
0x55: {  	v17 =	vld.idx.msk [tilespmem:v6+s25+$0x1000 ss:$0x1], $0xffff;
	vm0 =	veq.s32 v7, v1  }
0x56: {  	vm1 =	veq.s32 v7, v2;
	v8 =	vsel vm0, v10, v8  }
0x57: {  	vm10 =	veq.s32 v7, v3;
	v9 =	vsel vm0, v11, v9;
	v8 =	vsel vm1, v12, v8  }
0x58: {  	vm11 =	veq.s32 v7, v4;
	v9 =	vsel vm1, v13, v9;
	v8 =	vsel vm10, v14, v8  }
0x59: {  	v7 =	vsel vm10, v15, v9;
	v8 =	vsel vm11, v16, v8  }
0x5a: {  	v45 =	vld [tilespmem:s25+$0x12090];
	v7 =	vsel vm11, v17, v7;
	[tilespmem:s25+$0x11080] =	vst v8  }
0x5b: {  	[tilespmem:s25+$0x12080] =	vst v7;
	v8 =	vld [tilespmem:s25+$0x11090]  }
0x5c: {  	v7 =	vld [tilespmem:$0x10]  }
0x5d: {  	v46 =	vld.idx.msk [tilespmem:v5+s25+$0xFFFFE010 ss:$0x1], $0xffff  }
0x5e: {  	v47 =	vld.idx.msk [tilespmem:v6+s25+$0xFFFFE010 ss:$0x1], $0xffff  }
0x5f: {  	v48 =	vld.idx.msk [tilespmem:v5+s25+$0xFFFFF010 ss:$0x1], $0xffff  }
0x60: {  	v49 =	vld.idx.msk [tilespmem:v6+s25+$0xFFFFF010 ss:$0x1], $0xffff  }
0x61: {  	v50 =	vld.idx.msk [tilespmem:v5+s25+$0x10 ss:$0x1], $0xffff  }
0x62: {  	v51 =	vld.idx.msk [tilespmem:v6+s25+$0x10 ss:$0x1], $0xffff  }
0x63: {  	v52 =	vld.idx.msk [tilespmem:v5+s25+$0x1010 ss:$0x1], $0xffff  }
0x64: {  	v53 =	vld.idx.msk [tilespmem:v6+s25+$0x1010 ss:$0x1], $0xffff;
	vm12 =	veq.s32 v7, v1  }
0x65: {  	vm13 =	veq.s32 v7, v2;
	v8 =	vsel vm12, v46, v8  }
0x66: {  	vm14 =	veq.s32 v7, v3;
	v9 =	vsel vm12, v47, v45;
	v8 =	vsel vm13, v48, v8  }
0x67: {  	vm15 =	veq.s32 v7, v4;
	v9 =	vsel vm13, v49, v9;
	v8 =	vsel vm14, v50, v8  }
0x68: {  	v7 =	vsel vm14, v51, v9;
	v8 =	vsel vm15, v52, v8  }
0x69: {  	v54 =	vld [tilespmem:s25+$0x120A0];
	v7 =	vsel vm15, v53, v7;
	[tilespmem:s25+$0x11090] =	vst v8  }
0x6a: {  	[tilespmem:s25+$0x12090] =	vst v7;
	v8 =	vld [tilespmem:s25+$0x110A0]  }
0x6b: {  	v7 =	vld [tilespmem:$0x20]  }
0x6c: {  	v55 =	vld.idx.msk [tilespmem:v5+s25+$0xFFFFE020 ss:$0x1], $0xffff  }
0x6d: {  	v56 =	vld.idx.msk [tilespmem:v6+s25+$0xFFFFE020 ss:$0x1], $0xffff  }
0x6e: {  	v57 =	vld.idx.msk [tilespmem:v5+s25+$0xFFFFF020 ss:$0x1], $0xffff  }
0x6f: {  	v58 =	vld.idx.msk [tilespmem:v6+s25+$0xFFFFF020 ss:$0x1], $0xffff  }
0x70: {  	v59 =	vld.idx.msk [tilespmem:v5+s25+$0x20 ss:$0x1], $0xffff  }
0x71: {  	v60 =	vld.idx.msk [tilespmem:v6+s25+$0x20 ss:$0x1], $0xffff  }
0x72: {  	v61 =	vld.idx.msk [tilespmem:v5+s25+$0x1020 ss:$0x1], $0xffff  }
0x73: {  	v62 =	vld.idx.msk [tilespmem:v6+s25+$0x1020 ss:$0x1], $0xffff;
	vm4 =	veq.s32 v7, v1  }
0x74: {  	vm5 =	veq.s32 v7, v2;
	v8 =	vsel vm4, v55, v8  }
0x75: {  	vm6 =	veq.s32 v7, v3;
	v9 =	vsel vm4, v56, v54;
	v8 =	vsel vm5, v57, v8  }
0x76: {  	vm7 =	veq.s32 v7, v4;
	v9 =	vsel vm5, v58, v9;
	v8 =	vsel vm6, v59, v8  }
0x77: {  	v7 =	vsel vm6, v60, v9;
	v8 =	vsel vm7, v61, v8  }
0x78: {  	v63 =	vld [tilespmem:s25+$0x120B0];
	v7 =	vsel vm7, v62, v7;
	[tilespmem:s25+$0x110A0] =	vst v8  }
0x79: {  	[tilespmem:s25+$0x120A0] =	vst v7;
	v8 =	vld [tilespmem:s25+$0x110B0]  }
0x7a: {  	v7 =	vld [tilespmem:$0x30]  }
0x7b: {  	v20 =	vld.idx.msk [tilespmem:v5+s25+$0xFFFFE030 ss:$0x1], $0xffff  }
0x7c: {  	v21 =	vld.idx.msk [tilespmem:v6+s25+$0xFFFFE030 ss:$0x1], $0xffff  }
0x7d: {  	v22 =	vld.idx.msk [tilespmem:v5+s25+$0xFFFFF030 ss:$0x1], $0xffff  }
0x7e: {  	v23 =	vld.idx.msk [tilespmem:v6+s25+$0xFFFFF030 ss:$0x1], $0xffff  }
0x7f: {  	v24 =	vld.idx.msk [tilespmem:v5+s25+$0x30 ss:$0x1], $0xffff  }
0x80: {  	v25 =	vld.idx.msk [tilespmem:v6+s25+$0x30 ss:$0x1], $0xffff  }
0x81: {  	v26 =	vld.idx.msk [tilespmem:v5+s25+$0x1030 ss:$0x1], $0xffff  }
0x82: {  	v27 =	vld.idx.msk [tilespmem:v6+s25+$0x1030 ss:$0x1], $0xffff;
	vm8 =	veq.s32 v7, v1  }
0x83: {  	vm9 =	veq.s32 v7, v2;
	v8 =	vsel vm8, v20, v8  }
0x84: {  	vm10 =	veq.s32 v7, v3;
	v9 =	vsel vm8, v21, v63;
	v8 =	vsel vm9, v22, v8  }
0x85: {  	vm11 =	veq.s32 v7, v4;
	v9 =	vsel vm9, v23, v9;
	v8 =	vsel vm10, v24, v8  }
0x86: {  	v7 =	vsel vm10, v25, v9;
	v8 =	vsel vm11, v26, v8  }
0x87: {  	v28 =	vld [tilespmem:s25+$0x120C0];
	v7 =	vsel vm11, v27, v7;
	[tilespmem:s25+$0x110B0] =	vst v8  }
0x88: {  	[tilespmem:s25+$0x120B0] =	vst v7;
	v8 =	vld [tilespmem:s25+$0x110C0]  }
0x89: {  	v7 =	vld [tilespmem:$0x40]  }
0x8a: {  	v29 =	vld.idx.msk [tilespmem:v5+s25+$0xFFFFE040 ss:$0x1], $0xffff  }
0x8b: {  	v30 =	vld.idx.msk [tilespmem:v6+s25+$0xFFFFE040 ss:$0x1], $0xffff  }
0x8c: {  	v31 =	vld.idx.msk [tilespmem:v5+s25+$0xFFFFF040 ss:$0x1], $0xffff  }
0x8d: {  	v32 =	vld.idx.msk [tilespmem:v6+s25+$0xFFFFF040 ss:$0x1], $0xffff  }
0x8e: {  	v33 =	vld.idx.msk [tilespmem:v5+s25+$0x40 ss:$0x1], $0xffff  }
0x8f: {  	v34 =	vld.idx.msk [tilespmem:v6+s25+$0x40 ss:$0x1], $0xffff  }
0x90: {  	v35 =	vld.idx.msk [tilespmem:v5+s25+$0x1040 ss:$0x1], $0xffff  }
0x91: {  	v36 =	vld.idx.msk [tilespmem:v6+s25+$0x1040 ss:$0x1], $0xffff;
	vm12 =	veq.s32 v7, v1  }
0x92: {  	vm13 =	veq.s32 v7, v2;
	v8 =	vsel vm12, v29, v8  }
0x93: {  	vm14 =	veq.s32 v7, v3;
	v9 =	vsel vm12, v30, v28;
	v8 =	vsel vm13, v31, v8  }
0x94: {  	vm15 =	veq.s32 v7, v4;
	v9 =	vsel vm13, v32, v9;
	v8 =	vsel vm14, v33, v8  }
0x95: {  	v7 =	vsel vm14, v34, v9;
	v8 =	vsel vm15, v35, v8  }
0x96: {  	v37 =	vld [tilespmem:s25+$0x120D0];
	v7 =	vsel vm15, v36, v7;
	[tilespmem:s25+$0x110C0] =	vst v8  }
0x97: {  	[tilespmem:s25+$0x120C0] =	vst v7;
	v8 =	vld [tilespmem:s25+$0x110D0]  }
0x98: {  	v7 =	vld [tilespmem:$0x50]  }
0x99: {  	v38 =	vld.idx.msk [tilespmem:v5+s25+$0xFFFFE050 ss:$0x1], $0xffff  }
0x9a: {  	v39 =	vld.idx.msk [tilespmem:v6+s25+$0xFFFFE050 ss:$0x1], $0xffff  }
0x9b: {  	v40 =	vld.idx.msk [tilespmem:v5+s25+$0xFFFFF050 ss:$0x1], $0xffff  }
0x9c: {  	v41 =	vld.idx.msk [tilespmem:v6+s25+$0xFFFFF050 ss:$0x1], $0xffff  }
0x9d: {  	v42 =	vld.idx.msk [tilespmem:v5+s25+$0x50 ss:$0x1], $0xffff  }
0x9e: {  	v43 =	vld.idx.msk [tilespmem:v6+s25+$0x50 ss:$0x1], $0xffff  }
0x9f: {  	v44 =	vld.idx.msk [tilespmem:v5+s25+$0x1050 ss:$0x1], $0xffff  }
0xa0: {  	v45 =	vld.idx.msk [tilespmem:v6+s25+$0x1050 ss:$0x1], $0xffff;
	vm4 =	veq.s32 v7, v1  }
0xa1: {  	vm5 =	veq.s32 v7, v2;
	v8 =	vsel vm4, v38, v8  }
0xa2: {  	vm6 =	veq.s32 v7, v3;
	v9 =	vsel vm4, v39, v37;
	v8 =	vsel vm5, v40, v8  }
0xa3: {  	vm7 =	veq.s32 v7, v4;
	v9 =	vsel vm5, v41, v9;
	v8 =	vsel vm6, v42, v8  }
0xa4: {  	v7 =	vsel vm6, v43, v9;
	v8 =	vsel vm7, v44, v8  }
0xa5: {  	v46 =	vld [tilespmem:s25+$0x120E0];
	v7 =	vsel vm7, v45, v7;
	[tilespmem:s25+$0x110D0] =	vst v8  }
0xa6: {  	[tilespmem:s25+$0x120D0] =	vst v7;
	v8 =	vld [tilespmem:s25+$0x110E0]  }
0xa7: {  	v7 =	vld [tilespmem:$0x60]  }
0xa8: {  	v47 =	vld.idx.msk [tilespmem:v5+s25+$0xFFFFE060 ss:$0x1], $0xffff  }
0xa9: {  	v48 =	vld.idx.msk [tilespmem:v6+s25+$0xFFFFE060 ss:$0x1], $0xffff  }
0xaa: {  	v49 =	vld.idx.msk [tilespmem:v5+s25+$0xFFFFF060 ss:$0x1], $0xffff  }
0xab: {  	v50 =	vld.idx.msk [tilespmem:v6+s25+$0xFFFFF060 ss:$0x1], $0xffff  }
0xac: {  	v51 =	vld.idx.msk [tilespmem:v5+s25+$0x60 ss:$0x1], $0xffff  }
0xad: {  	v52 =	vld.idx.msk [tilespmem:v6+s25+$0x60 ss:$0x1], $0xffff  }
0xae: {  	v53 =	vld.idx.msk [tilespmem:v5+s25+$0x1060 ss:$0x1], $0xffff  }
0xaf: {  	v54 =	vld.idx.msk [tilespmem:v6+s25+$0x1060 ss:$0x1], $0xffff;
	vm8 =	veq.s32 v7, v1  }
0xb0: {  	vm9 =	veq.s32 v7, v2;
	v8 =	vsel vm8, v47, v8  }
0xb1: {  	vm10 =	veq.s32 v7, v3;
	v9 =	vsel vm8, v48, v46;
	v8 =	vsel vm9, v49, v8  }
0xb2: {  	vm11 =	veq.s32 v7, v4;
	v9 =	vsel vm9, v50, v9;
	v8 =	vsel vm10, v51, v8  }
0xb3: {  	v7 =	vsel vm10, v52, v9;
	v8 =	vsel vm11, v53, v8  }
0xb4: {  	v55 =	vld [tilespmem:s25+$0x120F0];
	v7 =	vsel vm11, v54, v7;
	[tilespmem:s25+$0x110E0] =	vst v8  }
0xb5: {  	[tilespmem:s25+$0x120E0] =	vst v7;
	v8 =	vld [tilespmem:s25+$0x110F0]  }
0xb6: {  	v7 =	vld [tilespmem:$0x70]  }
0xb7: {  	v56 =	vld.idx.msk [tilespmem:v5+s25+$0xFFFFE070 ss:$0x1], $0xffff  }
0xb8: {  	v57 =	vld.idx.msk [tilespmem:v6+s25+$0xFFFFE070 ss:$0x1], $0xffff  }
0xb9: {  	v58 =	vld.idx.msk [tilespmem:v5+s25+$0xFFFFF070 ss:$0x1], $0xffff  }
0xba: {  	v59 =	vld.idx.msk [tilespmem:v6+s25+$0xFFFFF070 ss:$0x1], $0xffff  }
0xbb: {  	v60 =	vld.idx.msk [tilespmem:v5+s25+$0x70 ss:$0x1], $0xffff  }
0xbc: {  	v61 =	vld.idx.msk [tilespmem:v6+s25+$0x70 ss:$0x1], $0xffff  }
0xbd: {  	v62 =	vld.idx.msk [tilespmem:v5+s25+$0x1070 ss:$0x1], $0xffff  }
0xbe: {  	v63 =	vld.idx.msk [tilespmem:v6+s25+$0x1070 ss:$0x1], $0xffff;
	vm12 =	veq.s32 v7, v1  }
0xbf: {  	p0 =	sne.s32 s24, $0x3E00;
	vm13 =	veq.s32 v7, v2;
	v8 =	vsel vm12, v56, v8  }
.Ltmp1:
0xc0: {  	vm14 =	veq.s32 v7, v3;
	v9 =	vsel vm12, v57, v55;
	v8 =	vsel vm13, v58, v8;
	(pc) =	sbr.rel @p0 .LBB2_5-.Ltmp1, $4  }
0xc1: {  	vm15 =	veq.s32 v7, v4;
	v9 =	vsel vm13, v59, v9;
	v8 =	vsel vm14, v60, v8  }
0xc2: {  	v7 =	vsel vm14, v61, v9;
	v8 =	vsel vm15, v62, v8  }
0xc3: {  	v7 =	vsel vm15, v63, v7;
	[tilespmem:s25+$0x110F0] =	vst v8  }
0xc4: {  	s24 =	sadd.s32 $0x200, s24;
	[tilespmem:s25+$0x120F0] =	vst v7  }
0xc5: {  	s23 =	sadd.s32 $0x1, s23  }
0xc6: {  	p0 =	sne.s32 s23, $0x4  }
.Ltmp2:
0xc7: {  	_ = 	snop;
	(pc) =	sbr.rel @p0 .LBB2_4-.Ltmp2, $1  }
0xc8: {  	_ =	sdelay $0x3  }
0xc9: {  	s23 =	simm.s32 $0x0  }
0xca: {  	v13 =	vld [tilespmem:s23+$0x12080]  }
0xcb: {  	v18 =	vld [tilespmem:s23+$0x10080]  }
0xcc: {  	v20 =	vld [tilespmem:s23+$0x12090]  }
0xcd: {  	v21 =	vld [tilespmem:s23+$0x10090]  }
0xce: {  	v6 =	vld [tilespmem:s23+$0x120A0]  }
0xcf: {  	v11 =	vld [tilespmem:s23+$0x100A0]  }
0xd0: {  	v9 =	vld [tilespmem:s23+$0x120B0]  }
0xd1: {  	v12 =	vld [tilespmem:s23+$0x100B0]  }
0xd2: {  	v8 =	vld [tilespmem:s23+$0x120C0]  }
0xd3: {  	v10 =	vld [tilespmem:s23+$0x100C0]  }
0xd4: {  	v4 =	vld [tilespmem:s23+$0x120D0]  }
0xd5: {  	v7 =	vld [tilespmem:s23+$0x100D0]  }
0xd6: {  	v2 =	vld [tilespmem:s23+$0x120E0]  }
0xd7: {  	v5 =	vld [tilespmem:s23+$0x100E0]  }
0xd8: {  	v1 =	vld [tilespmem:s23+$0x120F0]  }
0xd9: {  	v3 =	vld [tilespmem:s23+$0x100F0]  }
0xda: {  	v17 =	vld [tilespmem:s23+$0x11080]  }
0xdb: {  	v16 =	vld [tilespmem:s23+$0x11090]  }
0xdc: {  	v15 =	vld [tilespmem:s23+$0x110A0]  }
0xdd: {  	v14 =	vld [tilespmem:s23+$0x110B0];
	v19 =	vmul.f32 v18, v13  }
0xde: {  	s24 =	simm.s32 $0x200;
	v18 =	vmul.f32 v21, v20;
	v13 =	vld [tilespmem:s23+$0x110C0]  }
.LBB2_8:
0xdf: {  	p0 =	sne.s32 s24, $0x3E00;
	v17 =	vadd.f32 v19, v17;
	v6 =	vmul.f32 v11, v6;
	v11 =	vld [tilespmem:s23+$0x110D0]  }
0xe0: {  	v9 =	vmul.f32 v12, v9;
	v16 =	vadd.f32 v18, v16;
	v12 =	vld [tilespmem:s23+$0x110E0]  }
0xe1: {  	s25 =	sshra.s32 s24, $0x2;
	v8 =	vmul.f32 v10, v8;
	[tilespmem:s23+$0x11080] =	vst v17;
	v6 =	vadd.f32 v6, v15;
	v10 =	vld [tilespmem:s23+$0x110F0]  }
0xe2: {  	v4 =	vmul.f32 v7, v4;
	v18 =	vld [tilespmem:s25+$0x12080];
	[tilespmem:s23+$0x11090] =	vst v16;
	v9 =	vadd.f32 v9, v14  }
0xe3: {  	v2 =	vmul.f32 v5, v2;
	v14 =	vld [tilespmem:s25+$0x10080];
	[tilespmem:s23+$0x110A0] =	vst v6;
	v6 =	vadd.f32 v8, v13  }
0xe4: {  	v1 =	vmul.f32 v3, v1;
	v13 =	vld [tilespmem:s25+$0x12090];
	[tilespmem:s23+$0x110B0] =	vst v9;
	v4 =	vadd.f32 v4, v11  }
0xe5: {  	v20 =	vld [tilespmem:s25+$0x10090];
	[tilespmem:s23+$0x110C0] =	vst v6;
	v2 =	vadd.f32 v2, v12  }
0xe6: {  	v6 =	vld [tilespmem:s25+$0x120A0];
	[tilespmem:s23+$0x110D0] =	vst v4;
	v1 =	vadd.f32 v1, v10  }
0xe7: {  	v11 =	vld [tilespmem:s25+$0x100A0];
	[tilespmem:s23+$0x110E0] =	vst v2  }
0xe8: {  	v9 =	vld [tilespmem:s25+$0x120B0];
	[tilespmem:s23+$0x110F0] =	vst v1;
	s23 =	smov.u32 s25  }
0xe9: {  	v12 =	vld [tilespmem:s23+$0x100B0]  }
0xea: {  	v8 =	vld [tilespmem:s23+$0x120C0]  }
0xeb: {  	v10 =	vld [tilespmem:s23+$0x100C0]  }
0xec: {  	v4 =	vld [tilespmem:s23+$0x120D0]  }
0xed: {  	v7 =	vld [tilespmem:s23+$0x100D0]  }
0xee: {  	v2 =	vld [tilespmem:s23+$0x120E0]  }
0xef: {  	v5 =	vld [tilespmem:s23+$0x100E0]  }
0xf0: {  	v1 =	vld [tilespmem:s23+$0x120F0]  }
0xf1: {  	v3 =	vld [tilespmem:s23+$0x100F0]  }
.Ltmp3:
0xf2: {  	v17 =	vld [tilespmem:s23+$0x11080];
	(pc) =	sbr.rel @p0 .LBB2_8-.Ltmp3, $4  }
0xf3: {  	v16 =	vld [tilespmem:s23+$0x11090]  }
0xf4: {  	v15 =	vld [tilespmem:s23+$0x110A0]  }
0xf5: {  	v19 =	vmul.f32 v14, v18;
	v14 =	vld [tilespmem:s23+$0x110B0]  }
0xf6: {  	s24 =	sadd.s32 $0x200, s24;
	v18 =	vmul.f32 v20, v13;
	v13 =	vld [tilespmem:s23+$0x110C0]  }
0xf7: {  	v17 =	vadd.f32 v19, v17;
	v60 =	vld [tilespmem:s23+$0x110D0];
	v6 =	vmul.f32 v11, v6  }
0xf8: {  	v61 =	vld [tilespmem:s23+$0x110E0];
	v9 =	vmul.f32 v12, v9;
	v16 =	vadd.f32 v18, v16  }
0xf9: {  	v8 =	vmul.f32 v10, v8;
	v62 =	vld [tilespmem:s23+$0x110F0];
	[tilespmem:s23+$0x11080] =	vst v17;
	v6 =	vadd.f32 v6, v15  }
0xfa: {  	v4 =	vmul.f32 v7, v4;
	[tilespmem:s23+$0x11090] =	vst v16;
	v9 =	vadd.f32 v9, v14  }
0xfb: {  	v2 =	vmul.f32 v5, v2;
	[tilespmem:s23+$0x110A0] =	vst v6;
	v63 =	vadd.f32 v8, v13  }
0xfc: {  	v1 =	vmul.f32 v3, v1;
	[tilespmem:s23+$0x110B0] =	vst v9;
	v4 =	vadd.f32 v4, v60  }
0xfd: {  	v2 =	vadd.f32 v2, v61;
	[tilespmem:s23+$0x110C0] =	vst v63  }
0xfe: {  	s22 =	sadd.s32 $0x1, s22;
	v1 =	vadd.f32 v1, v62;
	[tilespmem:s23+$0x110D0] =	vst v4  }
0xff: {  	p0 =	sne.s32 s22, s11;
	[tilespmem:s23+$0x110E0] =	vst v2  }
.Ltmp4:
0x100: {  	[tilespmem:s23+$0x110F0] =	vst v1;
	(pc) =	sbr.rel @p0 .LBB2_1-.Ltmp4, $4  }
0x101: {  	[hbm4b:s10+s4] =	stream.linear.scatter [tilespmem:s21], [sflag:$0x3], $0x1000, $0x38;
	[tilespmem:$0x13080] =	vst v63  }
0x102: {  	_ =	swait.ge [sflag:s13], $0x1000  }
0x103: {  	[sflag:s13] =	ssyncset.done $0x0  }
0x104: {  	[sflag:s13] =	ssyncadd.s32 $0xFFFFF000  }
0x105: {  	_ =	sfence.sel $0x180000  }
0x106: {  	[bflag:$0x0] =	sbarrier.arrive $0xFFFF  }
0x107: {  	p0 =	sne.s32 s3, $0x0;
	_ =	strace $0x90000047  }
0x108: {  	s0 =	sadd.s32 @!p0 $0x100000, s0;
	[bflag:$0x2] =	sbarrier.arrive $0xFFFF  }
0x109: {  	[sflag:s0] =	ssyncadd.tile.s32 @!p0 $0x1;
	_ =	shalt  }
.Lfunc_end2:
_tile_overlayer_lowered:
.L_overlay_start_2:
0x10a: {  	(tag) =	ssettag $0x2  }
0x10b: {  	s0 =	rddreg [dreg:$0x0];
	s2 =	stileid.u32  }
0x10c: {  	s1 =	rddreg [dreg:$0x1];
	p0 =	sne.s32 s2, $0x0  }
0x10d: {  	s3 =	rddreg [dreg:$0x2];
	[bflag:$0x3] =	sbarrier.arrive $0xFFFF;
	s2 =	simm.s32 @!p0 $0x1C03  }
0x10e: {  	[timem:s3], [sflag:s2] =	dma.local @!p0 [hbm:s0], s1  }
0x10f: {  	s0 =	simm.s32 @!p0 $0x3  }
0x110: {  	_ =	swait.ge @!p0 [sflag:s0], s1  }
0x111: {  	s1 =	ssub.s32 @!p0 $0x0, s1;
	[sflag:s0] =	ssyncset.done @!p0 $0x0  }
0x112: {  	[sflag:s0] =	ssyncadd.s32 @!p0 s1  }
0x113: {  	[bflag:$0x3] =	sbarrier.arrive $0xFFFF  }
0x114: {  	_ =	shalt  }

</sc_bundles>
